<compile_context>
chip_gen: v7x
topology: tpu7x:2x2x1
jax: 0.10.2.dev20260603
libtpu: 0.0.44.dev20260713+nightly
codegen_flags: <defaults>
</compile_context>

<pallas_src>
import functools

import jax
import jax.numpy as jnp
from jax import lax
from jax.experimental import pallas as pl
from jax.experimental.pallas import tpu as pltpu
from jax.experimental.pallas import tpu_sc as plsc

NC = 2
NS = 16
NW = NC * NS
LANES = 16
CW = 128

@functools.cache
def _sc_mesh():
  return plsc.VectorSubcoreMesh(
      core_axis_name="c", subcore_axis_name="s", num_cores=NC, num_subcores=NS)


def _make_deg_kernel(n_pad, cht):
  rows_per_tile = n_pad // NS

  @functools.partial(
      pl.kernel,
      out_type=jax.ShapeDtypeStruct((NC, n_pad), jnp.float32),
      mesh=_sc_mesh(),
      scratch_types=[
          pltpu.VMEM((cht, CW), jnp.int32),
          pltpu.VMEM((cht, CW), jnp.int32),
          pltpu.VMEM((CW,), jnp.float32),
          pltpu.VMEM((rows_per_tile,), jnp.float32),
          pltpu.VMEM_SHARED((n_pad,), jnp.float32),
      ],
  )
  def deg_kernel(src_hbm, dst_hbm, deg_out, sidx_v, didx_v, ones_v, zbuf_v,
                 hist_sh):
    c = lax.axis_index("c")
    s = lax.axis_index("s")
    wid = s * NC + c

    def zfill(i, carry):
      zbuf_v[pl.ds(i * LANES, LANES)] = jnp.zeros((LANES,), jnp.float32)
      return carry

    lax.fori_loop(0, rows_per_tile // LANES, zfill, 0)
    for t in range(CW // LANES):
      ones_v[pl.ds(t * LANES, LANES)] = jnp.ones((LANES,), jnp.float32)
    pltpu.sync_copy(zbuf_v, hist_sh.at[pl.ds(s * rows_per_tile,
                                             rows_per_tile)])
    plsc.subcore_barrier()

    base = wid * cht
    pltpu.sync_copy(src_hbm.at[pl.ds(base, cht)], sidx_v)
    pltpu.sync_copy(dst_hbm.at[pl.ds(base, cht)], didx_v)

    def body(j, carry):
      pltpu.sync_copy(ones_v, hist_sh.at[sidx_v.at[j]], add=True)
      pltpu.sync_copy(ones_v, hist_sh.at[didx_v.at[j]], add=True)
      return carry

    lax.fori_loop(0, cht, body, 0)
    plsc.subcore_barrier()
    pltpu.sync_copy(hist_sh.at[pl.ds(s * rows_per_tile, rows_per_tile)],
                    deg_out.at[c, pl.ds(s * rows_per_tile, rows_per_tile)])

  return deg_kernel


def _make_agg_kernel(n_pad, d, cht):
  rows_per_tile = n_pad // NS
  SB = 40
  nblk = cht // SB

  @functools.partial(
      pl.kernel,
      out_type=jax.ShapeDtypeStruct((NC, n_pad, d), jnp.float32),
      mesh=_sc_mesh(),
      scratch_types=[
          pltpu.VMEM((SB, CW), jnp.int32),
          pltpu.VMEM((SB, CW), jnp.int32),
          pltpu.VMEM((CW, d), jnp.float32),
          pltpu.VMEM((CW, d), jnp.float32),
          pltpu.VMEM_SHARED((n_pad, d), jnp.float32),
          pltpu.SemaphoreType.DMA,
          pltpu.SemaphoreType.DMA,
      ],
  )
  def agg_kernel(zt_hbm, src_hbm, dst_hbm, acc_out, sidx_v, didx_v,
                 rows0_v, rows1_v, acc_sh, sem0, sem1):
    c = lax.axis_index("c")
    s = lax.axis_index("s")
    wid = s * NC + c

    def zfill(i, carry):
      for t in range(d // LANES):
        rows0_v[i, pl.ds(t * LANES, LANES)] = jnp.zeros((LANES,),
                                                        jnp.float32)
      return carry

    lax.fori_loop(0, CW, zfill, 0)

    def zcopy(k, carry):
      pltpu.async_copy(
          rows0_v, acc_sh.at[pl.ds(s * rows_per_tile + k * CW, CW)], sem0)
      return carry

    lax.fori_loop(0, rows_per_tile // CW, zcopy, 0)

    def zdrain(k, carry):
      pltpu.make_async_copy(
          rows0_v, acc_sh.at[pl.ds(s * rows_per_tile, CW)], sem0).wait()
      return carry

    lax.fori_loop(0, rows_per_tile // CW, zdrain, 0)
    plsc.subcore_barrier()

    base = wid * cht

    def blk(b, carry):
      pltpu.sync_copy(src_hbm.at[pl.ds(base + b * SB, SB)], sidx_v)
      pltpu.sync_copy(dst_hbm.at[pl.ds(base + b * SB, SB)], didx_v)
      pltpu.async_copy(zt_hbm.at[didx_v.at[0]], rows0_v, sem0)
      pltpu.async_copy(zt_hbm.at[sidx_v.at[0]], rows1_v, sem1)

      def body(j, carry2):
        pltpu.make_async_copy(zt_hbm.at[didx_v.at[j]], rows0_v, sem0).wait()
        pltpu.sync_copy(rows0_v, acc_sh.at[sidx_v.at[j]], add=True)

        @pl.when(j + 1 < SB)
        def _():
          pltpu.async_copy(zt_hbm.at[didx_v.at[j + 1]], rows0_v, sem0)

        pltpu.make_async_copy(zt_hbm.at[sidx_v.at[j]], rows1_v, sem1).wait()
        pltpu.sync_copy(rows1_v, acc_sh.at[didx_v.at[j]], add=True)

        @pl.when(j + 1 < SB)
        def _():
          pltpu.async_copy(zt_hbm.at[sidx_v.at[j + 1]], rows1_v, sem1)

        return carry2

      lax.fori_loop(0, SB, body, 0)
      return carry

    lax.fori_loop(0, nblk, blk, 0)
    plsc.subcore_barrier()
    pltpu.sync_copy(acc_sh.at[pl.ds(s * rows_per_tile, rows_per_tile)],
                    acc_out.at[c, pl.ds(s * rows_per_tile, rows_per_tile)])

  return agg_kernel


def _head_body(deg0_ref, deg1_ref, x_ref, wi_ref, bi_ref, w0_ref, b0_ref,
               zt_ref, dis_ref):
  deg = deg0_ref[...] + deg1_ref[...]
  dis = jnp.where(deg > 0.0, lax.rsqrt(deg), 0.0)
  h = jnp.dot(x_ref[...], wi_ref[...],
              preferred_element_type=jnp.float32) + bi_ref[...]
  z = jnp.maximum(
      jnp.dot(h, w0_ref[...], preferred_element_type=jnp.float32)
      + b0_ref[...], 0.0)
  zt_ref[...] = z * dis
  dis_ref[...] = dis


def _mid_body(acc_ref0, acc_ref1, dis_ref, w1_ref, b1_ref, zt_ref):
  dis = dis_ref[...]
  a = (acc_ref0[0] + acc_ref1[0]) * dis
  z = jnp.maximum(
      jnp.dot(a, w1_ref[...], preferred_element_type=jnp.float32)
      + b1_ref[...], 0.0)
  zt_ref[...] = z * dis


def _out_body(acc_ref0, acc_ref1, dis_ref, wo_ref, bo_ref, o_ref):
  a = (acc_ref0[0] + acc_ref1[0]) * dis_ref[...]
  o_ref[...] = jnp.dot(a, wo_ref[...],
                       preferred_element_type=jnp.float32) + bo_ref[...]


def kernel(x, edge_index, W_in, b_in, W0, b0, W1, b1, W_out, b_out):
  n, d = x.shape
  e = edge_index.shape[1]
  n_pad = (n // 1024 + 1) * 1024
  cht = -(-e // (NW * CW))
  cht = -(-cht // 8) * 8
  e_pad = NW * CW * cht
  r = 2000
  grid = n // r

  src = edge_index[0]
  dst = edge_index[1]
  npad_rows = n_pad - n
  pad_idx = n + (jnp.arange(e_pad - e, dtype=jnp.int32) % npad_rows)
  srcp = jnp.concatenate([src, pad_idx]).reshape(e_pad // CW, CW)
  dstp = jnp.concatenate([dst, pad_idx]).reshape(e_pad // CW, CW)

  deg_parts = _make_deg_kernel(n_pad, cht)(srcp, dstp)
  deg0 = deg_parts[0].reshape(n_pad, 1)
  deg1 = deg_parts[1].reshape(n_pad, 1)

  col_spec = pl.BlockSpec((r, 1), lambda i: (i, 0))
  mat_spec = pl.BlockSpec((r, d), lambda i: (i, 0))
  w_spec = pl.BlockSpec((d, d), lambda i: (0, 0))
  b_spec = pl.BlockSpec((1, d), lambda i: (0, 0))
  acc_spec0 = pl.BlockSpec((1, r, d), lambda i: (0, i, 0))
  acc_spec1 = pl.BlockSpec((1, r, d), lambda i: (1, i, 0))

  zt0, dis = pl.pallas_call(
      _head_body,
      grid=(grid,),
      in_specs=[col_spec, col_spec, mat_spec, w_spec, b_spec, w_spec, b_spec],
      out_specs=[mat_spec, col_spec],
      out_shape=[
          jax.ShapeDtypeStruct((n_pad, d), jnp.float32),
          jax.ShapeDtypeStruct((n_pad, 1), jnp.float32),
      ],
  )(deg0, deg1, x, W_in, b_in.reshape(1, d), W0, b0.reshape(1, d))

  agg = _make_agg_kernel(n_pad, d, cht)
  acc0 = agg(zt0, srcp, dstp)

  zt1 = pl.pallas_call(
      _mid_body,
      grid=(grid,),
      in_specs=[acc_spec0, acc_spec1, col_spec, w_spec, b_spec],
      out_specs=mat_spec,
      out_shape=jax.ShapeDtypeStruct((n_pad, d), jnp.float32),
  )(acc0, acc0, dis, W1, b1.reshape(1, d))

  acc1 = agg(zt1, srcp, dstp)

  out = pl.pallas_call(
      _out_body,
      grid=(grid,),
      in_specs=[acc_spec0, acc_spec1, col_spec, w_spec, b_spec],
      out_specs=mat_spec,
      out_shape=jax.ShapeDtypeStruct((n, d), jnp.float32),
  )(acc1, acc1, dis, W_out, b_out.reshape(1, d))

  return out

# --- scband reference (transcript-rebuilt; emitter-appended) ---
"""Pipeline reference for scband-evolve-gcn-76347338654221 (READ-ONLY COPY).

The authoritative reference and input builder live on the scoring server;
editing this copy changes nothing except your own understanding.
"""

import jax, jax.numpy as jnp
import numpy as np

N = 10000
E = 320000
D = 128


def _xavier(key, shape):
    fan_in, fan_out = shape[0], shape[1]
    a = float(np.sqrt(6.0 / (fan_in + fan_out)))
    return jax.random.uniform(key, shape, jnp.float32, -a, a)


def setup_inputs(seed: int = 0) -> dict:
    key = jax.random.key(seed)
    ks = jax.random.split(key, 8)
    x = jax.random.normal(ks[0], (N, D), jnp.float32)
    edge_index = jax.random.randint(ks[1], (2, E), 0, N, jnp.int32)
    W_in = _xavier(ks[2], (D, D))
    b_in = jnp.zeros((D,), jnp.float32)
    W0 = _xavier(ks[3], (D, D))
    b0 = jnp.zeros((D,), jnp.float32)
    W1 = _xavier(ks[4], (D, D))
    b1 = jnp.zeros((D,), jnp.float32)
    W_out = _xavier(ks[5], (D, D))
    b_out = jnp.zeros((D,), jnp.float32)
    return {"x": x, "edge_index": edge_index, "W_in": W_in, "b_in": b_in,
            "W0": W0, "b0": b0, "W1": W1, "b1": b1,
            "W_out": W_out, "b_out": b_out}


def _gcn_layer(h, edge_index, W, b):
    # x = relu(x @ W + b)
    z = jax.nn.relu(h @ W + b)
    # to_undirected: symmetric concat
    ei = jnp.concatenate([edge_index, edge_index[::-1]], axis=1)
    row, col = ei[0], ei[1]
    # NOTE: faithful to original torch code, deg is sized by num (undirected) edges,
    # not num nodes (a quirk of the source module). Values are still in-range since 2E >= N.
    deg = jnp.zeros((row.shape[0],), jnp.float32).at[row].add(1.0)
    deg_inv_sqrt = jnp.where(deg == 0.0, 0.0, deg ** -0.5)
    norm = deg_inv_sqrt[row] * deg_inv_sqrt[col]
    out = jnp.zeros_like(z).at[row].add(z[col] * norm[:, None])
    return out


def reference(x, edge_index, W_in, b_in, W0, b0, W1, b1, W_out, b_out):
    # eval mode: dropout is identity. Hidden state h starts as None for all layers,
    # so the GRUCell path in EvolveGCNLayer is never invoked.
    h = x @ W_in + b_in
    h = _gcn_layer(h, edge_index, W0, b0)
    h = _gcn_layer(h, edge_index, W1, b1)
    out = h @ W_out + b_out
    return out

if __name__ == "__main__":
    import jax
    _d = setup_inputs()
    print(jax.jit(kernel)(*tuple(_d.values())))

</pallas_src>

<mosaic_0001>
#map = affine_map<(d0, d1) -> (0, 0)>
module attributes {stable_mosaic.version = 14 : i64} {
  func.func @deg_kernel(%arg0: i32, %arg1: i32, %arg2: memref<2560x128xi32, #tpu.memory_space<hbm>>, %arg3: memref<2560x128xi32, #tpu.memory_space<hbm>>, %arg4: memref<2x10240xf32, #tpu.memory_space<hbm>>, %arg5: memref<80x128xi32, #tpu.memory_space<vmem>>, %arg6: memref<80x128xi32, #tpu.memory_space<vmem>>, %arg7: memref<128xf32, #tpu.memory_space<vmem>>, %arg8: memref<640xf32, #tpu.memory_space<vmem>>, %arg9: memref<10240xf32, #tpu.memory_space<vmem_shared>>) attributes {dimension_semantics = [#tpu.dimension_semantics<core_parallel>, #tpu.dimension_semantics<subcore_parallel>], iteration_bounds = array<i64: 2, 16>, scalar_prefetch = 0 : i64, scratch_operands = 5 : i64, tpu.core_type = #tpu.core_type<sc_vector_subcore>, window_params = [{transform_indices = #map}, {transform_indices = #map}, {transform_indices = #map}]} {
    %mul3A = arith.constant 2 : i32
    %mul3A_0 = arith.muli %arg1, %mul3A : i32
    %add3A = arith.addi %mul3A_0, %arg0 : i32
    %scan3A = arith.constant 0 : i32
    %scan3A_1 = arith.constant 0 : i32
    %scan3A_2 = arith.constant 40 : i32
    %scan3A_3 = arith.addi %scan3A_1, %scan3A_2 : i32
    %scan3A_4 = arith.constant 1 : i32
    scf.for %scan3A_67 = %scan3A_1 to %scan3A_3 step %scan3A_4  : i32 {
      %broadcast_in_dim3A_68 = arith.constant 0.000000e+00 : f32
      %broadcast_in_dim3A_69 = vector.broadcast %broadcast_in_dim3A_68 : f32 to vector<16xf32>
      %mul3A_70 = arith.constant 16 : i32
      %mul3A_71 = arith.muli %scan3A_67, %mul3A_70 : i32
      %swap3A_72 = arith.index_cast %mul3A_71 : i32 to index
      %swap3A_73 = tpu.vector_load %arg8[%swap3A_72] {strides = array<i32>} : memref<640xf32, #tpu.memory_space<vmem>>, vector<16xf32>,
      %swap3A_74 = vector.shape_cast %swap3A_73 : vector<16xf32> to vector<16xf32>
      %swap3A_75 = vector.shape_cast %broadcast_in_dim3A_69 : vector<16xf32> to vector<16xf32>
      tpu.vector_store %arg8[%swap3A_72], %swap3A_75 {strides = array<i32>} : memref<640xf32, #tpu.memory_space<vmem>>, vector<16xf32>,
    }
    %scan3A_5 = arith.constant 40 : i32
    %broadcast_in_dim3A = arith.constant 1.000000e+00 : f32
    %broadcast_in_dim3A_6 = vector.broadcast %broadcast_in_dim3A : f32 to vector<16xf32>
    %swap3A = arith.constant 0 : index
    %swap3A_7 = tpu.vector_load %arg7[%swap3A] {strides = array<i32>} : memref<128xf32, #tpu.memory_space<vmem>>, vector<16xf32>,
    %swap3A_8 = vector.shape_cast %swap3A_7 : vector<16xf32> to vector<16xf32>
    %swap3A_9 = vector.shape_cast %broadcast_in_dim3A_6 : vector<16xf32> to vector<16xf32>
    tpu.vector_store %arg7[%swap3A], %swap3A_9 {strides = array<i32>} : memref<128xf32, #tpu.memory_space<vmem>>, vector<16xf32>,
    %broadcast_in_dim3A_10 = arith.constant 1.000000e+00 : f32
    %broadcast_in_dim3A_11 = vector.broadcast %broadcast_in_dim3A_10 : f32 to vector<16xf32>
    %swap3A_12 = arith.constant 16 : index
    %swap3A_13 = tpu.vector_load %arg7[%swap3A_12] {strides = array<i32>} : memref<128xf32, #tpu.memory_space<vmem>>, vector<16xf32>,
    %swap3A_14 = vector.shape_cast %swap3A_13 : vector<16xf32> to vector<16xf32>
    %swap3A_15 = vector.shape_cast %broadcast_in_dim3A_11 : vector<16xf32> to vector<16xf32>
    tpu.vector_store %arg7[%swap3A_12], %swap3A_15 {strides = array<i32>} : memref<128xf32, #tpu.memory_space<vmem>>, vector<16xf32>,
    %broadcast_in_dim3A_16 = arith.constant 1.000000e+00 : f32
    %broadcast_in_dim3A_17 = vector.broadcast %broadcast_in_dim3A_16 : f32 to vector<16xf32>
    %swap3A_18 = arith.constant 32 : index
    %swap3A_19 = tpu.vector_load %arg7[%swap3A_18] {strides = array<i32>} : memref<128xf32, #tpu.memory_space<vmem>>, vector<16xf32>,
    %swap3A_20 = vector.shape_cast %swap3A_19 : vector<16xf32> to vector<16xf32>
    %swap3A_21 = vector.shape_cast %broadcast_in_dim3A_17 : vector<16xf32> to vector<16xf32>
    tpu.vector_store %arg7[%swap3A_18], %swap3A_21 {strides = array<i32>} : memref<128xf32, #tpu.memory_space<vmem>>, vector<16xf32>,
    %broadcast_in_dim3A_22 = arith.constant 1.000000e+00 : f32
    %broadcast_in_dim3A_23 = vector.broadcast %broadcast_in_dim3A_22 : f32 to vector<16xf32>
    %swap3A_24 = arith.constant 48 : index
    %swap3A_25 = tpu.vector_load %arg7[%swap3A_24] {strides = array<i32>} : memref<128xf32, #tpu.memory_space<vmem>>, vector<16xf32>,
    %swap3A_26 = vector.shape_cast %swap3A_25 : vector<16xf32> to vector<16xf32>
    %swap3A_27 = vector.shape_cast %broadcast_in_dim3A_23 : vector<16xf32> to vector<16xf32>
    tpu.vector_store %arg7[%swap3A_24], %swap3A_27 {strides = array<i32>} : memref<128xf32, #tpu.memory_space<vmem>>, vector<16xf32>,
    %broadcast_in_dim3A_28 = arith.constant 1.000000e+00 : f32
    %broadcast_in_dim3A_29 = vector.broadcast %broadcast_in_dim3A_28 : f32 to vector<16xf32>
    %swap3A_30 = arith.constant 64 : index
    %swap3A_31 = tpu.vector_load %arg7[%swap3A_30] {strides = array<i32>} : memref<128xf32, #tpu.memory_space<vmem>>, vector<16xf32>,
    %swap3A_32 = vector.shape_cast %swap3A_31 : vector<16xf32> to vector<16xf32>
    %swap3A_33 = vector.shape_cast %broadcast_in_dim3A_29 : vector<16xf32> to vector<16xf32>
    tpu.vector_store %arg7[%swap3A_30], %swap3A_33 {strides = array<i32>} : memref<128xf32, #tpu.memory_space<vmem>>, vector<16xf32>,
    %broadcast_in_dim3A_34 = arith.constant 1.000000e+00 : f32
    %broadcast_in_dim3A_35 = vector.broadcast %broadcast_in_dim3A_34 : f32 to vector<16xf32>
    %swap3A_36 = arith.constant 80 : index
    %swap3A_37 = tpu.vector_load %arg7[%swap3A_36] {strides = array<i32>} : memref<128xf32, #tpu.memory_space<vmem>>, vector<16xf32>,
    %swap3A_38 = vector.shape_cast %swap3A_37 : vector<16xf32> to vector<16xf32>
    %swap3A_39 = vector.shape_cast %broadcast_in_dim3A_35 : vector<16xf32> to vector<16xf32>
    tpu.vector_store %arg7[%swap3A_36], %swap3A_39 {strides = array<i32>} : memref<128xf32, #tpu.memory_space<vmem>>, vector<16xf32>,
    %broadcast_in_dim3A_40 = arith.constant 1.000000e+00 : f32
    %broadcast_in_dim3A_41 = vector.broadcast %broadcast_in_dim3A_40 : f32 to vector<16xf32>
    %swap3A_42 = arith.constant 96 : index
    %swap3A_43 = tpu.vector_load %arg7[%swap3A_42] {strides = array<i32>} : memref<128xf32, #tpu.memory_space<vmem>>, vector<16xf32>,
    %swap3A_44 = vector.shape_cast %swap3A_43 : vector<16xf32> to vector<16xf32>
    %swap3A_45 = vector.shape_cast %broadcast_in_dim3A_41 : vector<16xf32> to vector<16xf32>
    tpu.vector_store %arg7[%swap3A_42], %swap3A_45 {strides = array<i32>} : memref<128xf32, #tpu.memory_space<vmem>>, vector<16xf32>,
    %broadcast_in_dim3A_46 = arith.constant 1.000000e+00 : f32
    %broadcast_in_dim3A_47 = vector.broadcast %broadcast_in_dim3A_46 : f32 to vector<16xf32>
    %swap3A_48 = arith.constant 112 : index
    %swap3A_49 = tpu.vector_load %arg7[%swap3A_48] {strides = array<i32>} : memref<128xf32, #tpu.memory_space<vmem>>, vector<16xf32>,
    %swap3A_50 = vector.shape_cast %swap3A_49 : vector<16xf32> to vector<16xf32>
    %swap3A_51 = vector.shape_cast %broadcast_in_dim3A_47 : vector<16xf32> to vector<16xf32>
    tpu.vector_store %arg7[%swap3A_48], %swap3A_51 {strides = array<i32>} : memref<128xf32, #tpu.memory_space<vmem>>, vector<16xf32>,
    %mul3A_52 = arith.constant 640 : i32
    %mul3A_53 = arith.muli %arg1, %mul3A_52 : i32
    "tpu.region"() ({
      %run_scoped3A = tpu.sem_alloc : memref<!tpu.dma_semaphore, #tpu.memory_space<semaphore_mem>>
      %dma_start3A = tpu.memref_slice %arg9[%mul3A_53] : memref<10240xf32, #tpu.memory_space<vmem_shared>> -> memref<640xf32, #tpu.memory_space<vmem_shared>>
      %dma_start3A_67 = tpu.memref_slice %arg9[%mul3A_53] : memref<10240xf32, #tpu.memory_space<vmem_shared>> -> memref<640xf32, #tpu.memory_space<vmem_shared>>
      tpu.enqueue_dma source(%arg8 : memref<640xf32, #tpu.memory_space<vmem>>) target(%dma_start3A_67 : memref<640xf32, #tpu.memory_space<vmem_shared>>) target_semaphore(%run_scoped3A : memref<!tpu.dma_semaphore, #tpu.memory_space<semaphore_mem>>)
      %dma_wait3A = tpu.memref_slice %arg9[%mul3A_53] : memref<10240xf32, #tpu.memory_space<vmem_shared>> -> memref<640xf32, #tpu.memory_space<vmem_shared>>
      %dma_wait3A_68 = tpu.memref_slice %arg9[%mul3A_53] : memref<10240xf32, #tpu.memory_space<vmem_shared>> -> memref<640xf32, #tpu.memory_space<vmem_shared>>
      tpu.wait_dma2 semaphore(%run_scoped3A : memref<!tpu.dma_semaphore, #tpu.memory_space<semaphore_mem>>) src(%arg8 : memref<640xf32, #tpu.memory_space<vmem>>) dst(%dma_wait3A_68 : memref<640xf32, #tpu.memory_space<vmem_shared>>)
      tpu.yield
    }) : () -> ()
    %barrier3A = arith.constant 0 : index
    tpu.barrier barrier_id(%barrier3A)
    %mul3A_54 = arith.constant 80 : i32
    %mul3A_55 = arith.muli %add3A, %mul3A_54 : i32
    "tpu.region"() ({
      %run_scoped3A = tpu.sem_alloc : memref<!tpu.dma_semaphore, #tpu.memory_space<semaphore_mem>>
      %dma_start3A = arith.constant 0 : i32
      %dma_start3A_67 = tpu.memref_slice %arg2[%mul3A_55, %dma_start3A] : memref<2560x128xi32, #tpu.memory_space<hbm>> -> memref<80x128xi32, #tpu.memory_space<hbm>>
      %dma_start3A_68 = arith.constant 0 : i32
      %dma_start3A_69 = tpu.memref_slice %arg2[%mul3A_55, %dma_start3A_68] : memref<2560x128xi32, #tpu.memory_space<hbm>> -> memref<80x128xi32, #tpu.memory_space<hbm>>
      tpu.enqueue_dma source(%dma_start3A_69 : memref<80x128xi32, #tpu.memory_space<hbm>>) target(%arg5 : memref<80x128xi32, #tpu.memory_space<vmem>>) target_semaphore(%run_scoped3A : memref<!tpu.dma_semaphore, #tpu.memory_space<semaphore_mem>>)
      %dma_wait3A = arith.constant 0 : i32
      %dma_wait3A_70 = tpu.memref_slice %arg2[%mul3A_55, %dma_wait3A] : memref<2560x128xi32, #tpu.memory_space<hbm>> -> memref<80x128xi32, #tpu.memory_space<hbm>>
      %dma_wait3A_71 = arith.constant 0 : i32
      %dma_wait3A_72 = tpu.memref_slice %arg2[%mul3A_55, %dma_wait3A_71] : memref<2560x128xi32, #tpu.memory_space<hbm>> -> memref<80x128xi32, #tpu.memory_space<hbm>>
      tpu.wait_dma2 semaphore(%run_scoped3A : memref<!tpu.dma_semaphore, #tpu.memory_space<semaphore_mem>>) src(%dma_wait3A_72 : memref<80x128xi32, #tpu.memory_space<hbm>>) dst(%arg5 : memref<80x128xi32, #tpu.memory_space<vmem>>)
      tpu.yield
    }) : () -> ()
    "tpu.region"() ({
      %run_scoped3A = tpu.sem_alloc : memref<!tpu.dma_semaphore, #tpu.memory_space<semaphore_mem>>
      %dma_start3A = arith.constant 0 : i32
      %dma_start3A_67 = tpu.memref_slice %arg3[%mul3A_55, %dma_start3A] : memref<2560x128xi32, #tpu.memory_space<hbm>> -> memref<80x128xi32, #tpu.memory_space<hbm>>
      %dma_start3A_68 = arith.constant 0 : i32
      %dma_start3A_69 = tpu.memref_slice %arg3[%mul3A_55, %dma_start3A_68] : memref<2560x128xi32, #tpu.memory_space<hbm>> -> memref<80x128xi32, #tpu.memory_space<hbm>>
      tpu.enqueue_dma source(%dma_start3A_69 : memref<80x128xi32, #tpu.memory_space<hbm>>) target(%arg6 : memref<80x128xi32, #tpu.memory_space<vmem>>) target_semaphore(%run_scoped3A : memref<!tpu.dma_semaphore, #tpu.memory_space<semaphore_mem>>)
      %dma_wait3A = arith.constant 0 : i32
      %dma_wait3A_70 = tpu.memref_slice %arg3[%mul3A_55, %dma_wait3A] : memref<2560x128xi32, #tpu.memory_space<hbm>> -> memref<80x128xi32, #tpu.memory_space<hbm>>
      %dma_wait3A_71 = arith.constant 0 : i32
      %dma_wait3A_72 = tpu.memref_slice %arg3[%mul3A_55, %dma_wait3A_71] : memref<2560x128xi32, #tpu.memory_space<hbm>> -> memref<80x128xi32, #tpu.memory_space<hbm>>
      tpu.wait_dma2 semaphore(%run_scoped3A : memref<!tpu.dma_semaphore, #tpu.memory_space<semaphore_mem>>) src(%dma_wait3A_72 : memref<80x128xi32, #tpu.memory_space<hbm>>) dst(%arg6 : memref<80x128xi32, #tpu.memory_space<vmem>>)
      tpu.yield
    }) : () -> ()
    %scan3A_56 = arith.constant 0 : i32
    %scan3A_57 = arith.constant 0 : i32
    %scan3A_58 = arith.constant 80 : i32
    %scan3A_59 = arith.addi %scan3A_57, %scan3A_58 : i32
    %scan3A_60 = arith.constant 1 : i32
    scf.for %scan3A_67 = %scan3A_57 to %scan3A_59 step %scan3A_60  : i32 {
      "tpu.region"() ({
        %run_scoped3A = tpu.sem_alloc : memref<!tpu.dma_semaphore, #tpu.memory_space<semaphore_mem>>
        %dma_start3A = arith.constant 0 : i32
        %dma_start3A_68 = tpu.memref_slice %arg5[%scan3A_67, %dma_start3A] : memref<80x128xi32, #tpu.memory_space<vmem>> -> memref<1x128xi32, #tpu.memory_space<vmem>>
        %dma_start3A_69 = tpu.memref_squeeze %dma_start3A_68 : memref<1x128xi32, #tpu.memory_space<vmem>> -> memref<128xi32, #tpu.memory_space<vmem>>
        %dma_start3A_70 = arith.constant 0 : i32
        %dma_start3A_71 = tpu.memref_slice %arg9[%dma_start3A_70] : memref<10240xf32, #tpu.memory_space<vmem_shared>> -> memref<10240xf32, #tpu.memory_space<vmem_shared>>
        tpu.enqueue_indirect_dma source(%arg7 : memref<128xf32, #tpu.memory_space<vmem>>) target(%dma_start3A_71 : memref<10240xf32, #tpu.memory_space<vmem_shared>>) offsets(%dma_start3A_69 : memref<128xi32, #tpu.memory_space<vmem>>) semaphore(%run_scoped3A : memref<!tpu.dma_semaphore, #tpu.memory_space<semaphore_mem>>) {add = true}
        %dma_wait3A = arith.constant 0 : i32
        %dma_wait3A_72 = tpu.memref_slice %arg5[%scan3A_67, %dma_wait3A] : memref<80x128xi32, #tpu.memory_space<vmem>> -> memref<1x128xi32, #tpu.memory_space<vmem>>
        %dma_wait3A_73 = tpu.memref_squeeze %dma_wait3A_72 : memref<1x128xi32, #tpu.memory_space<vmem>> -> memref<128xi32, #tpu.memory_space<vmem>>
        %dma_wait3A_74 = arith.constant 0 : i32
        %dma_wait3A_75 = tpu.memref_slice %arg9[%dma_wait3A_74] : memref<10240xf32, #tpu.memory_space<vmem_shared>> -> memref<10240xf32, #tpu.memory_space<vmem_shared>>
        tpu.wait_indirect_dma semaphore(%run_scoped3A : memref<!tpu.dma_semaphore, #tpu.memory_space<semaphore_mem>>) src(%arg7 : memref<128xf32, #tpu.memory_space<vmem>>) dst(%dma_wait3A_75 : memref<10240xf32, #tpu.memory_space<vmem_shared>>)
        tpu.yield
      }) : () -> ()
      "tpu.region"() ({
        %run_scoped3A = tpu.sem_alloc : memref<!tpu.dma_semaphore, #tpu.memory_space<semaphore_mem>>
        %dma_start3A = arith.constant 0 : i32
        %dma_start3A_68 = tpu.memref_slice %arg6[%scan3A_67, %dma_start3A] : memref<80x128xi32, #tpu.memory_space<vmem>> -> memref<1x128xi32, #tpu.memory_space<vmem>>
        %dma_start3A_69 = tpu.memref_squeeze %dma_start3A_68 : memref<1x128xi32, #tpu.memory_space<vmem>> -> memref<128xi32, #tpu.memory_space<vmem>>
        %dma_start3A_70 = arith.constant 0 : i32
        %dma_start3A_71 = tpu.memref_slice %arg9[%dma_start3A_70] : memref<10240xf32, #tpu.memory_space<vmem_shared>> -> memref<10240xf32, #tpu.memory_space<vmem_shared>>
        tpu.enqueue_indirect_dma source(%arg7 : memref<128xf32, #tpu.memory_space<vmem>>) target(%dma_start3A_71 : memref<10240xf32, #tpu.memory_space<vmem_shared>>) offsets(%dma_start3A_69 : memref<128xi32, #tpu.memory_space<vmem>>) semaphore(%run_scoped3A : memref<!tpu.dma_semaphore, #tpu.memory_space<semaphore_mem>>) {add = true}
        %dma_wait3A = arith.constant 0 : i32
        %dma_wait3A_72 = tpu.memref_slice %arg6[%scan3A_67, %dma_wait3A] : memref<80x128xi32, #tpu.memory_space<vmem>> -> memref<1x128xi32, #tpu.memory_space<vmem>>
        %dma_wait3A_73 = tpu.memref_squeeze %dma_wait3A_72 : memref<1x128xi32, #tpu.memory_space<vmem>> -> memref<128xi32, #tpu.memory_space<vmem>>
        %dma_wait3A_74 = arith.constant 0 : i32
        %dma_wait3A_75 = tpu.memref_slice %arg9[%dma_wait3A_74] : memref<10240xf32, #tpu.memory_space<vmem_shared>> -> memref<10240xf32, #tpu.memory_space<vmem_shared>>
        tpu.wait_indirect_dma semaphore(%run_scoped3A : memref<!tpu.dma_semaphore, #tpu.memory_space<semaphore_mem>>) src(%arg7 : memref<128xf32, #tpu.memory_space<vmem>>) dst(%dma_wait3A_75 : memref<10240xf32, #tpu.memory_space<vmem_shared>>)
        tpu.yield
      }) : () -> ()
    }
    %scan3A_61 = arith.constant 80 : i32
    %barrier3A_62 = arith.constant 0 : index
    tpu.barrier barrier_id(%barrier3A_62)
    %mul3A_63 = arith.constant 640 : i32
    %mul3A_64 = arith.muli %arg1, %mul3A_63 : i32
    %mul3A_65 = arith.constant 640 : i32
    %mul3A_66 = arith.muli %arg1, %mul3A_65 : i32
    "tpu.region"() ({
      %run_scoped3A = tpu.sem_alloc : memref<!tpu.dma_semaphore, #tpu.memory_space<semaphore_mem>>
      %dma_start3A = tpu.memref_slice %arg4[%arg0, %mul3A_66] : memref<2x10240xf32, #tpu.memory_space<hbm>> -> memref<1x640xf32, #tpu.memory_space<hbm>>
      %dma_start3A_67 = tpu.memref_squeeze %dma_start3A : memref<1x640xf32, #tpu.memory_space<hbm>> -> memref<640xf32, #tpu.memory_space<hbm>>
      %dma_start3A_68 = tpu.memref_slice %arg9[%mul3A_64] : memref<10240xf32, #tpu.memory_space<vmem_shared>> -> memref<640xf32, #tpu.memory_space<vmem_shared>>
      tpu.enqueue_dma source(%dma_start3A_68 : memref<640xf32, #tpu.memory_space<vmem_shared>>) target(%dma_start3A_67 : memref<640xf32, #tpu.memory_space<hbm>>) target_semaphore(%run_scoped3A : memref<!tpu.dma_semaphore, #tpu.memory_space<semaphore_mem>>)
      %dma_wait3A = tpu.memref_slice %arg4[%arg0, %mul3A_66] : memref<2x10240xf32, #tpu.memory_space<hbm>> -> memref<1x640xf32, #tpu.memory_space<hbm>>
      %dma_wait3A_69 = tpu.memref_squeeze %dma_wait3A : memref<1x640xf32, #tpu.memory_space<hbm>> -> memref<640xf32, #tpu.memory_space<hbm>>
      %dma_wait3A_70 = tpu.memref_slice %arg9[%mul3A_64] : memref<10240xf32, #tpu.memory_space<vmem_shared>> -> memref<640xf32, #tpu.memory_space<vmem_shared>>
      tpu.wait_dma2 semaphore(%run_scoped3A : memref<!tpu.dma_semaphore, #tpu.memory_space<semaphore_mem>>) src(%dma_wait3A_70 : memref<640xf32, #tpu.memory_space<vmem_shared>>) dst(%dma_wait3A_69 : memref<640xf32, #tpu.memory_space<hbm>>)
      tpu.yield
    }) : () -> ()
    return
  }
}

#map = affine_map<(d0, d1) -> (0, 0)>
#map1 = affine_map<(d0, d1) -> (0, 0, 0)>
module attributes {stable_mosaic.version = 14 : i64} {
  func.func @agg_kernel(%arg0: i32, %arg1: i32, %arg2: memref<10240x128xf32, #tpu.memory_space<hbm>>, %arg3: memref<2560x128xi32, #tpu.memory_space<hbm>>, %arg4: memref<2560x128xi32, #tpu.memory_space<hbm>>, %arg5: memref<2x10240x128xf32, #tpu.memory_space<hbm>>, %arg6: memref<40x128xi32, #tpu.memory_space<vmem>>, %arg7: memref<40x128xi32, #tpu.memory_space<vmem>>, %arg8: memref<128x128xf32, #tpu.memory_space<vmem>>, %arg9: memref<128x128xf32, #tpu.memory_space<vmem>>, %arg10: memref<10240x128xf32, #tpu.memory_space<vmem_shared>>, %arg11: memref<!tpu.dma_semaphore, #tpu.memory_space<semaphore_mem>>, %arg12: memref<!tpu.dma_semaphore, #tpu.memory_space<semaphore_mem>>) attributes {dimension_semantics = [#tpu.dimension_semantics<core_parallel>, #tpu.dimension_semantics<subcore_parallel>], iteration_bounds = array<i64: 2, 16>, scalar_prefetch = 0 : i64, scratch_operands = 7 : i64, tpu.core_type = #tpu.core_type<sc_vector_subcore>, window_params = [{transform_indices = #map}, {transform_indices = #map}, {transform_indices = #map}, {transform_indices = #map1}]} {
    %mul3A = arith.constant 2 : i32
    %mul3A_0 = arith.muli %arg1, %mul3A : i32
    %add3A = arith.addi %mul3A_0, %arg0 : i32
    %scan3A = arith.constant 0 : i32
    %scan3A_1 = arith.constant 0 : i32
    %scan3A_2 = arith.constant 128 : i32
    %scan3A_3 = arith.addi %scan3A_1, %scan3A_2 : i32
    %scan3A_4 = arith.constant 1 : i32
    scf.for %scan3A_31 = %scan3A_1 to %scan3A_3 step %scan3A_4  : i32 {
      %broadcast_in_dim3A = arith.constant 0.000000e+00 : f32
      %broadcast_in_dim3A_32 = vector.broadcast %broadcast_in_dim3A : f32 to vector<16xf32>
      %swap3A = arith.index_cast %scan3A_31 : i32 to index
      %swap3A_33 = arith.constant 0 : index
      %swap3A_34 = tpu.vector_load %arg8[%swap3A, %swap3A_33] {strides = array<i32>} : memref<128x128xf32, #tpu.memory_space<vmem>>, vector<1x16xf32>,
      %swap3A_35 = vector.shape_cast %swap3A_34 : vector<1x16xf32> to vector<16xf32>
      %swap3A_36 = vector.shape_cast %broadcast_in_dim3A_32 : vector<16xf32> to vector<1x16xf32>
      tpu.vector_store %arg8[%swap3A, %swap3A_33], %swap3A_36 {strides = array<i32>} : memref<128x128xf32, #tpu.memory_space<vmem>>, vector<1x16xf32>,
      %broadcast_in_dim3A_37 = arith.constant 0.000000e+00 : f32
      %broadcast_in_dim3A_38 = vector.broadcast %broadcast_in_dim3A_37 : f32 to vector<16xf32>
      %swap3A_39 = arith.index_cast %scan3A_31 : i32 to index
      %swap3A_40 = arith.constant 16 : index
      %swap3A_41 = tpu.vector_load %arg8[%swap3A_39, %swap3A_40] {strides = array<i32>} : memref<128x128xf32, #tpu.memory_space<vmem>>, vector<1x16xf32>,
      %swap3A_42 = vector.shape_cast %swap3A_41 : vector<1x16xf32> to vector<16xf32>
      %swap3A_43 = vector.shape_cast %broadcast_in_dim3A_38 : vector<16xf32> to vector<1x16xf32>
      tpu.vector_store %arg8[%swap3A_39, %swap3A_40], %swap3A_43 {strides = array<i32>} : memref<128x128xf32, #tpu.memory_space<vmem>>, vector<1x16xf32>,
      %broadcast_in_dim3A_44 = arith.constant 0.000000e+00 : f32
      %broadcast_in_dim3A_45 = vector.broadcast %broadcast_in_dim3A_44 : f32 to vector<16xf32>
      %swap3A_46 = arith.index_cast %scan3A_31 : i32 to index
      %swap3A_47 = arith.constant 32 : index
      %swap3A_48 = tpu.vector_load %arg8[%swap3A_46, %swap3A_47] {strides = array<i32>} : memref<128x128xf32, #tpu.memory_space<vmem>>, vector<1x16xf32>,
      %swap3A_49 = vector.shape_cast %swap3A_48 : vector<1x16xf32> to vector<16xf32>
      %swap3A_50 = vector.shape_cast %broadcast_in_dim3A_45 : vector<16xf32> to vector<1x16xf32>
      tpu.vector_store %arg8[%swap3A_46, %swap3A_47], %swap3A_50 {strides = array<i32>} : memref<128x128xf32, #tpu.memory_space<vmem>>, vector<1x16xf32>,
      %broadcast_in_dim3A_51 = arith.constant 0.000000e+00 : f32
      %broadcast_in_dim3A_52 = vector.broadcast %broadcast_in_dim3A_51 : f32 to vector<16xf32>
      %swap3A_53 = arith.index_cast %scan3A_31 : i32 to index
      %swap3A_54 = arith.constant 48 : index
      %swap3A_55 = tpu.vector_load %arg8[%swap3A_53, %swap3A_54] {strides = array<i32>} : memref<128x128xf32, #tpu.memory_space<vmem>>, vector<1x16xf32>,
      %swap3A_56 = vector.shape_cast %swap3A_55 : vector<1x16xf32> to vector<16xf32>
      %swap3A_57 = vector.shape_cast %broadcast_in_dim3A_52 : vector<16xf32> to vector<1x16xf32>
      tpu.vector_store %arg8[%swap3A_53, %swap3A_54], %swap3A_57 {strides = array<i32>} : memref<128x128xf32, #tpu.memory_space<vmem>>, vector<1x16xf32>,
      %broadcast_in_dim3A_58 = arith.constant 0.000000e+00 : f32
      %broadcast_in_dim3A_59 = vector.broadcast %broadcast_in_dim3A_58 : f32 to vector<16xf32>
      %swap3A_60 = arith.index_cast %scan3A_31 : i32 to index
      %swap3A_61 = arith.constant 64 : index
      %swap3A_62 = tpu.vector_load %arg8[%swap3A_60, %swap3A_61] {strides = array<i32>} : memref<128x128xf32, #tpu.memory_space<vmem>>, vector<1x16xf32>,
      %swap3A_63 = vector.shape_cast %swap3A_62 : vector<1x16xf32> to vector<16xf32>
      %swap3A_64 = vector.shape_cast %broadcast_in_dim3A_59 : vector<16xf32> to vector<1x16xf32>
      tpu.vector_store %arg8[%swap3A_60, %swap3A_61], %swap3A_64 {strides = array<i32>} : memref<128x128xf32, #tpu.memory_space<vmem>>, vector<1x16xf32>,
      %broadcast_in_dim3A_65 = arith.constant 0.000000e+00 : f32
      %broadcast_in_dim3A_66 = vector.broadcast %broadcast_in_dim3A_65 : f32 to vector<16xf32>
      %swap3A_67 = arith.index_cast %scan3A_31 : i32 to index
      %swap3A_68 = arith.constant 80 : index
      %swap3A_69 = tpu.vector_load %arg8[%swap3A_67, %swap3A_68] {strides = array<i32>} : memref<128x128xf32, #tpu.memory_space<vmem>>, vector<1x16xf32>,
      %swap3A_70 = vector.shape_cast %swap3A_69 : vector<1x16xf32> to vector<16xf32>
      %swap3A_71 = vector.shape_cast %broadcast_in_dim3A_66 : vector<16xf32> to vector<1x16xf32>
      tpu.vector_store %arg8[%swap3A_67, %swap3A_68], %swap3A_71 {strides = array<i32>} : memref<128x128xf32, #tpu.memory_space<vmem>>, vector<1x16xf32>,
      %broadcast_in_dim3A_72 = arith.constant 0.000000e+00 : f32
      %broadcast_in_dim3A_73 = vector.broadcast %broadcast_in_dim3A_72 : f32 to vector<16xf32>
      %swap3A_74 = arith.index_cast %scan3A_31 : i32 to index
      %swap3A_75 = arith.constant 96 : index
      %swap3A_76 = tpu.vector_load %arg8[%swap3A_74, %swap3A_75] {strides = array<i32>} : memref<128x128xf32, #tpu.memory_space<vmem>>, vector<1x16xf32>,
      %swap3A_77 = vector.shape_cast %swap3A_76 : vector<1x16xf32> to vector<16xf32>
      %swap3A_78 = vector.shape_cast %broadcast_in_dim3A_73 : vector<16xf32> to vector<1x16xf32>
      tpu.vector_store %arg8[%swap3A_74, %swap3A_75], %swap3A_78 {strides = array<i32>} : memref<128x128xf32, #tpu.memory_space<vmem>>, vector<1x16xf32>,
      %broadcast_in_dim3A_79 = arith.constant 0.000000e+00 : f32
      %broadcast_in_dim3A_80 = vector.broadcast %broadcast_in_dim3A_79 : f32 to vector<16xf32>
      %swap3A_81 = arith.index_cast %scan3A_31 : i32 to index
      %swap3A_82 = arith.constant 112 : index
      %swap3A_83 = tpu.vector_load %arg8[%swap3A_81, %swap3A_82] {strides = array<i32>} : memref<128x128xf32, #tpu.memory_space<vmem>>, vector<1x16xf32>,
      %swap3A_84 = vector.shape_cast %swap3A_83 : vector<1x16xf32> to vector<16xf32>
      %swap3A_85 = vector.shape_cast %broadcast_in_dim3A_80 : vector<16xf32> to vector<1x16xf32>
      tpu.vector_store %arg8[%swap3A_81, %swap3A_82], %swap3A_85 {strides = array<i32>} : memref<128x128xf32, #tpu.memory_space<vmem>>, vector<1x16xf32>,
    }
    %scan3A_5 = arith.constant 128 : i32
    %scan3A_6 = arith.constant 0 : i32
    %scan3A_7 = arith.constant 0 : i32
    %scan3A_8 = arith.constant 5 : i32
    %scan3A_9 = arith.addi %scan3A_7, %scan3A_8 : i32
    %scan3A_10 = arith.constant 1 : i32
    scf.for %scan3A_31 = %scan3A_7 to %scan3A_9 step %scan3A_10  : i32 {
      %mul3A_32 = arith.constant 640 : i32
      %mul3A_33 = arith.muli %arg1, %mul3A_32 : i32
      %mul3A_34 = arith.constant 128 : i32
      %mul3A_35 = arith.muli %scan3A_31, %mul3A_34 : i32
      %add3A_36 = arith.addi %mul3A_33, %mul3A_35 : i32
      %dma_start3A = arith.constant 0 : i32
      %dma_start3A_37 = tpu.memref_slice %arg10[%add3A_36, %dma_start3A] : memref<10240x128xf32, #tpu.memory_space<vmem_shared>> -> memref<128x128xf32, #tpu.memory_space<vmem_shared>>
      %dma_start3A_38 = arith.constant 0 : i32
      %dma_start3A_39 = tpu.memref_slice %arg10[%add3A_36, %dma_start3A_38] : memref<10240x128xf32, #tpu.memory_space<vmem_shared>> -> memref<128x128xf32, #tpu.memory_space<vmem_shared>>
      tpu.enqueue_dma source(%arg8 : memref<128x128xf32, #tpu.memory_space<vmem>>) target(%dma_start3A_39 : memref<128x128xf32, #tpu.memory_space<vmem_shared>>) target_semaphore(%arg11 : memref<!tpu.dma_semaphore, #tpu.memory_space<semaphore_mem>>)
    }
    %scan3A_11 = arith.constant 5 : i32
    %scan3A_12 = arith.constant 0 : i32
    %scan3A_13 = arith.constant 0 : i32
    %scan3A_14 = arith.constant 5 : i32
    %scan3A_15 = arith.addi %scan3A_13, %scan3A_14 : i32
    %scan3A_16 = arith.constant 1 : i32
    scf.for %scan3A_31 = %scan3A_13 to %scan3A_15 step %scan3A_16  : i32 {
      %mul3A_32 = arith.constant 640 : i32
      %mul3A_33 = arith.muli %arg1, %mul3A_32 : i32
      %dma_wait3A = arith.constant 0 : i32
      %dma_wait3A_34 = tpu.memref_slice %arg10[%mul3A_33, %dma_wait3A] : memref<10240x128xf32, #tpu.memory_space<vmem_shared>> -> memref<128x128xf32, #tpu.memory_space<vmem_shared>>
      %dma_wait3A_35 = arith.constant 0 : i32
      %dma_wait3A_36 = tpu.memref_slice %arg10[%mul3A_33, %dma_wait3A_35] : memref<10240x128xf32, #tpu.memory_space<vmem_shared>> -> memref<128x128xf32, #tpu.memory_space<vmem_shared>>
      tpu.wait_dma2 semaphore(%arg11 : memref<!tpu.dma_semaphore, #tpu.memory_space<semaphore_mem>>) src(%arg8 : memref<128x128xf32, #tpu.memory_space<vmem>>) dst(%dma_wait3A_36 : memref<128x128xf32, #tpu.memory_space<vmem_shared>>)
    }
    %scan3A_17 = arith.constant 5 : i32
    %barrier3A = arith.constant 0 : index
    tpu.barrier barrier_id(%barrier3A)
    %mul3A_18 = arith.constant 80 : i32
    %mul3A_19 = arith.muli %add3A, %mul3A_18 : i32
    %scan3A_20 = arith.constant 0 : i32
    %scan3A_21 = arith.constant 0 : i32
    %scan3A_22 = arith.constant 2 : i32
    %scan3A_23 = arith.addi %scan3A_21, %scan3A_22 : i32
    %scan3A_24 = arith.constant 1 : i32
    scf.for %scan3A_31 = %scan3A_21 to %scan3A_23 step %scan3A_24  : i32 {
      %mul3A_32 = arith.constant 40 : i32
      %mul3A_33 = arith.muli %scan3A_31, %mul3A_32 : i32
      %add3A_34 = arith.addi %mul3A_19, %mul3A_33 : i32
      "tpu.region"() ({
        %run_scoped3A = tpu.sem_alloc : memref<!tpu.dma_semaphore, #tpu.memory_space<semaphore_mem>>
        %dma_start3A_57 = arith.constant 0 : i32
        %dma_start3A_58 = tpu.memref_slice %arg3[%add3A_34, %dma_start3A_57] : memref<2560x128xi32, #tpu.memory_space<hbm>> -> memref<40x128xi32, #tpu.memory_space<hbm>>
        %dma_start3A_59 = arith.constant 0 : i32
        %dma_start3A_60 = tpu.memref_slice %arg3[%add3A_34, %dma_start3A_59] : memref<2560x128xi32, #tpu.memory_space<hbm>> -> memref<40x128xi32, #tpu.memory_space<hbm>>
        tpu.enqueue_dma source(%dma_start3A_60 : memref<40x128xi32, #tpu.memory_space<hbm>>) target(%arg6 : memref<40x128xi32, #tpu.memory_space<vmem>>) target_semaphore(%run_scoped3A : memref<!tpu.dma_semaphore, #tpu.memory_space<semaphore_mem>>)
        %dma_wait3A = arith.constant 0 : i32
        %dma_wait3A_61 = tpu.memref_slice %arg3[%add3A_34, %dma_wait3A] : memref<2560x128xi32, #tpu.memory_space<hbm>> -> memref<40x128xi32, #tpu.memory_space<hbm>>
        %dma_wait3A_62 = arith.constant 0 : i32
        %dma_wait3A_63 = tpu.memref_slice %arg3[%add3A_34, %dma_wait3A_62] : memref<2560x128xi32, #tpu.memory_space<hbm>> -> memref<40x128xi32, #tpu.memory_space<hbm>>
        tpu.wait_dma2 semaphore(%run_scoped3A : memref<!tpu.dma_semaphore, #tpu.memory_space<semaphore_mem>>) src(%dma_wait3A_63 : memref<40x128xi32, #tpu.memory_space<hbm>>) dst(%arg6 : memref<40x128xi32, #tpu.memory_space<vmem>>)
        tpu.yield
      }) : () -> ()
      %mul3A_35 = arith.constant 40 : i32
      %mul3A_36 = arith.muli %scan3A_31, %mul3A_35 : i32
      %add3A_37 = arith.addi %mul3A_19, %mul3A_36 : i32
      "tpu.region"() ({
        %run_scoped3A = tpu.sem_alloc : memref<!tpu.dma_semaphore, #tpu.memory_space<semaphore_mem>>
        %dma_start3A_57 = arith.constant 0 : i32
        %dma_start3A_58 = tpu.memref_slice %arg4[%add3A_37, %dma_start3A_57] : memref<2560x128xi32, #tpu.memory_space<hbm>> -> memref<40x128xi32, #tpu.memory_space<hbm>>
        %dma_start3A_59 = arith.constant 0 : i32
        %dma_start3A_60 = tpu.memref_slice %arg4[%add3A_37, %dma_start3A_59] : memref<2560x128xi32, #tpu.memory_space<hbm>> -> memref<40x128xi32, #tpu.memory_space<hbm>>
        tpu.enqueue_dma source(%dma_start3A_60 : memref<40x128xi32, #tpu.memory_space<hbm>>) target(%arg7 : memref<40x128xi32, #tpu.memory_space<vmem>>) target_semaphore(%run_scoped3A : memref<!tpu.dma_semaphore, #tpu.memory_space<semaphore_mem>>)
        %dma_wait3A = arith.constant 0 : i32
        %dma_wait3A_61 = tpu.memref_slice %arg4[%add3A_37, %dma_wait3A] : memref<2560x128xi32, #tpu.memory_space<hbm>> -> memref<40x128xi32, #tpu.memory_space<hbm>>
        %dma_wait3A_62 = arith.constant 0 : i32
        %dma_wait3A_63 = tpu.memref_slice %arg4[%add3A_37, %dma_wait3A_62] : memref<2560x128xi32, #tpu.memory_space<hbm>> -> memref<40x128xi32, #tpu.memory_space<hbm>>
        tpu.wait_dma2 semaphore(%run_scoped3A : memref<!tpu.dma_semaphore, #tpu.memory_space<semaphore_mem>>) src(%dma_wait3A_63 : memref<40x128xi32, #tpu.memory_space<hbm>>) dst(%arg7 : memref<40x128xi32, #tpu.memory_space<vmem>>)
        tpu.yield
      }) : () -> ()
      %dma_start3A = arith.constant 0 : i32
      %dma_start3A_38 = arith.constant 0 : i32
      %dma_start3A_39 = tpu.memref_slice %arg7[%dma_start3A, %dma_start3A_38] : memref<40x128xi32, #tpu.memory_space<vmem>> -> memref<1x128xi32, #tpu.memory_space<vmem>>
      %dma_start3A_40 = tpu.memref_squeeze %dma_start3A_39 : memref<1x128xi32, #tpu.memory_space<vmem>> -> memref<128xi32, #tpu.memory_space<vmem>>
      %dma_start3A_41 = arith.constant 0 : i32
      %dma_start3A_42 = arith.constant 0 : i32
      %dma_start3A_43 = tpu.memref_slice %arg2[%dma_start3A_41, %dma_start3A_42] : memref<10240x128xf32, #tpu.memory_space<hbm>> -> memref<10240x128xf32, #tpu.memory_space<hbm>>
      tpu.enqueue_indirect_dma source(%dma_start3A_43 : memref<10240x128xf32, #tpu.memory_space<hbm>>) target(%arg8 : memref<128x128xf32, #tpu.memory_space<vmem>>) offsets(%dma_start3A_40 : memref<128xi32, #tpu.memory_space<vmem>>) semaphore(%arg11 : memref<!tpu.dma_semaphore, #tpu.memory_space<semaphore_mem>>)
      %dma_start3A_44 = arith.constant 0 : i32
      %dma_start3A_45 = arith.constant 0 : i32
      %dma_start3A_46 = tpu.memref_slice %arg6[%dma_start3A_44, %dma_start3A_45] : memref<40x128xi32, #tpu.memory_space<vmem>> -> memref<1x128xi32, #tpu.memory_space<vmem>>
      %dma_start3A_47 = tpu.memref_squeeze %dma_start3A_46 : memref<1x128xi32, #tpu.memory_space<vmem>> -> memref<128xi32, #tpu.memory_space<vmem>>
      %dma_start3A_48 = arith.constant 0 : i32
      %dma_start3A_49 = arith.constant 0 : i32
      %dma_start3A_50 = tpu.memref_slice %arg2[%dma_start3A_48, %dma_start3A_49] : memref<10240x128xf32, #tpu.memory_space<hbm>> -> memref<10240x128xf32, #tpu.memory_space<hbm>>
      tpu.enqueue_indirect_dma source(%dma_start3A_50 : memref<10240x128xf32, #tpu.memory_space<hbm>>) target(%arg9 : memref<128x128xf32, #tpu.memory_space<vmem>>) offsets(%dma_start3A_47 : memref<128xi32, #tpu.memory_space<vmem>>) semaphore(%arg12 : memref<!tpu.dma_semaphore, #tpu.memory_space<semaphore_mem>>)
      %scan3A_51 = arith.constant 0 : i32
      %scan3A_52 = arith.constant 0 : i32
      %scan3A_53 = arith.constant 40 : i32
      %scan3A_54 = arith.addi %scan3A_52, %scan3A_53 : i32
      %scan3A_55 = arith.constant 1 : i32
      scf.for %scan3A_57 = %scan3A_52 to %scan3A_54 step %scan3A_55  : i32 {
        %dma_wait3A = arith.constant 0 : i32
        %dma_wait3A_58 = tpu.memref_slice %arg7[%scan3A_57, %dma_wait3A] : memref<40x128xi32, #tpu.memory_space<vmem>> -> memref<1x128xi32, #tpu.memory_space<vmem>>
        %dma_wait3A_59 = tpu.memref_squeeze %dma_wait3A_58 : memref<1x128xi32, #tpu.memory_space<vmem>> -> memref<128xi32, #tpu.memory_space<vmem>>
        %dma_wait3A_60 = arith.constant 0 : i32
        %dma_wait3A_61 = arith.constant 0 : i32
        %dma_wait3A_62 = tpu.memref_slice %arg2[%dma_wait3A_60, %dma_wait3A_61] : memref<10240x128xf32, #tpu.memory_space<hbm>> -> memref<10240x128xf32, #tpu.memory_space<hbm>>
        tpu.wait_indirect_dma semaphore(%arg11 : memref<!tpu.dma_semaphore, #tpu.memory_space<semaphore_mem>>) src(%dma_wait3A_62 : memref<10240x128xf32, #tpu.memory_space<hbm>>) dst(%arg8 : memref<128x128xf32, #tpu.memory_space<vmem>>)
        "tpu.region"() ({
          %run_scoped3A = tpu.sem_alloc : memref<!tpu.dma_semaphore, #tpu.memory_space<semaphore_mem>>
          %dma_start3A_80 = arith.constant 0 : i32
          %dma_start3A_81 = tpu.memref_slice %arg6[%scan3A_57, %dma_start3A_80] : memref<40x128xi32, #tpu.memory_space<vmem>> -> memref<1x128xi32, #tpu.memory_space<vmem>>
          %dma_start3A_82 = tpu.memref_squeeze %dma_start3A_81 : memref<1x128xi32, #tpu.memory_space<vmem>> -> memref<128xi32, #tpu.memory_space<vmem>>
          %dma_start3A_83 = arith.constant 0 : i32
          %dma_start3A_84 = arith.constant 0 : i32
          %dma_start3A_85 = tpu.memref_slice %arg10[%dma_start3A_83, %dma_start3A_84] : memref<10240x128xf32, #tpu.memory_space<vmem_shared>> -> memref<10240x128xf32, #tpu.memory_space<vmem_shared>>
          tpu.enqueue_indirect_dma source(%arg8 : memref<128x128xf32, #tpu.memory_space<vmem>>) target(%dma_start3A_85 : memref<10240x128xf32, #tpu.memory_space<vmem_shared>>) offsets(%dma_start3A_82 : memref<128xi32, #tpu.memory_space<vmem>>) semaphore(%run_scoped3A : memref<!tpu.dma_semaphore, #tpu.memory_space<semaphore_mem>>) {add = true}
          %dma_wait3A_86 = arith.constant 0 : i32
          %dma_wait3A_87 = tpu.memref_slice %arg6[%scan3A_57, %dma_wait3A_86] : memref<40x128xi32, #tpu.memory_space<vmem>> -> memref<1x128xi32, #tpu.memory_space<vmem>>
          %dma_wait3A_88 = tpu.memref_squeeze %dma_wait3A_87 : memref<1x128xi32, #tpu.memory_space<vmem>> -> memref<128xi32, #tpu.memory_space<vmem>>
          %dma_wait3A_89 = arith.constant 0 : i32
          %dma_wait3A_90 = arith.constant 0 : i32
          %dma_wait3A_91 = tpu.memref_slice %arg10[%dma_wait3A_89, %dma_wait3A_90] : memref<10240x128xf32, #tpu.memory_space<vmem_shared>> -> memref<10240x128xf32, #tpu.memory_space<vmem_shared>>
          tpu.wait_indirect_dma semaphore(%run_scoped3A : memref<!tpu.dma_semaphore, #tpu.memory_space<semaphore_mem>>) src(%arg8 : memref<128x128xf32, #tpu.memory_space<vmem>>) dst(%dma_wait3A_91 : memref<10240x128xf32, #tpu.memory_space<vmem_shared>>)
          tpu.yield
        }) : () -> ()
        %add3A_63 = arith.constant 1 : i32
        %add3A_64 = arith.addi %scan3A_57, %add3A_63 : i32
        %lt3A = arith.constant 40 : i32
        %lt3A_65 = arith.cmpi slt, %add3A_64, %lt3A : i32
        %convert_element_type3A = arith.extui %lt3A_65 : i1 to i32
        %cond3A = arith.constant 0 : i32
        %cond3A_66 = arith.cmpi ne, %convert_element_type3A, %cond3A : i32
        scf.if %cond3A_66 {
          %add3A_80 = arith.constant 1 : i32
          %add3A_81 = arith.addi %scan3A_57, %add3A_80 : i32
          %dma_start3A_82 = arith.constant 0 : i32
          %dma_start3A_83 = tpu.memref_slice %arg7[%add3A_81, %dma_start3A_82] : memref<40x128xi32, #tpu.memory_space<vmem>> -> memref<1x128xi32, #tpu.memory_space<vmem>>
          %dma_start3A_84 = tpu.memref_squeeze %dma_start3A_83 : memref<1x128xi32, #tpu.memory_space<vmem>> -> memref<128xi32, #tpu.memory_space<vmem>>
          %dma_start3A_85 = arith.constant 0 : i32
          %dma_start3A_86 = arith.constant 0 : i32
          %dma_start3A_87 = tpu.memref_slice %arg2[%dma_start3A_85, %dma_start3A_86] : memref<10240x128xf32, #tpu.memory_space<hbm>> -> memref<10240x128xf32, #tpu.memory_space<hbm>>
          tpu.enqueue_indirect_dma source(%dma_start3A_87 : memref<10240x128xf32, #tpu.memory_space<hbm>>) target(%arg8 : memref<128x128xf32, #tpu.memory_space<vmem>>) offsets(%dma_start3A_84 : memref<128xi32, #tpu.memory_space<vmem>>) semaphore(%arg11 : memref<!tpu.dma_semaphore, #tpu.memory_space<semaphore_mem>>)
        } else {
        }
        %dma_wait3A_67 = arith.constant 0 : i32
        %dma_wait3A_68 = tpu.memref_slice %arg6[%scan3A_57, %dma_wait3A_67] : memref<40x128xi32, #tpu.memory_space<vmem>> -> memref<1x128xi32, #tpu.memory_space<vmem>>
        %dma_wait3A_69 = tpu.memref_squeeze %dma_wait3A_68 : memref<1x128xi32, #tpu.memory_space<vmem>> -> memref<128xi32, #tpu.memory_space<vmem>>
        %dma_wait3A_70 = arith.constant 0 : i32
        %dma_wait3A_71 = arith.constant 0 : i32
        %dma_wait3A_72 = tpu.memref_slice %arg2[%dma_wait3A_70, %dma_wait3A_71] : memref<10240x128xf32, #tpu.memory_space<hbm>> -> memref<10240x128xf32, #tpu.memory_space<hbm>>
        tpu.wait_indirect_dma semaphore(%arg12 : memref<!tpu.dma_semaphore, #tpu.memory_space<semaphore_mem>>) src(%dma_wait3A_72 : memref<10240x128xf32, #tpu.memory_space<hbm>>) dst(%arg9 : memref<128x128xf32, #tpu.memory_space<vmem>>)
        "tpu.region"() ({
          %run_scoped3A = tpu.sem_alloc : memref<!tpu.dma_semaphore, #tpu.memory_space<semaphore_mem>>
          %dma_start3A_80 = arith.constant 0 : i32
          %dma_start3A_81 = tpu.memref_slice %arg7[%scan3A_57, %dma_start3A_80] : memref<40x128xi32, #tpu.memory_space<vmem>> -> memref<1x128xi32, #tpu.memory_space<vmem>>
          %dma_start3A_82 = tpu.memref_squeeze %dma_start3A_81 : memref<1x128xi32, #tpu.memory_space<vmem>> -> memref<128xi32, #tpu.memory_space<vmem>>
          %dma_start3A_83 = arith.constant 0 : i32
          %dma_start3A_84 = arith.constant 0 : i32
          %dma_start3A_85 = tpu.memref_slice %arg10[%dma_start3A_83, %dma_start3A_84] : memref<10240x128xf32, #tpu.memory_space<vmem_shared>> -> memref<10240x128xf32, #tpu.memory_space<vmem_shared>>
          tpu.enqueue_indirect_dma source(%arg9 : memref<128x128xf32, #tpu.memory_space<vmem>>) target(%dma_start3A_85 : memref<10240x128xf32, #tpu.memory_space<vmem_shared>>) offsets(%dma_start3A_82 : memref<128xi32, #tpu.memory_space<vmem>>) semaphore(%run_scoped3A : memref<!tpu.dma_semaphore, #tpu.memory_space<semaphore_mem>>) {add = true}
          %dma_wait3A_86 = arith.constant 0 : i32
          %dma_wait3A_87 = tpu.memref_slice %arg7[%scan3A_57, %dma_wait3A_86] : memref<40x128xi32, #tpu.memory_space<vmem>> -> memref<1x128xi32, #tpu.memory_space<vmem>>
          %dma_wait3A_88 = tpu.memref_squeeze %dma_wait3A_87 : memref<1x128xi32, #tpu.memory_space<vmem>> -> memref<128xi32, #tpu.memory_space<vmem>>
          %dma_wait3A_89 = arith.constant 0 : i32
          %dma_wait3A_90 = arith.constant 0 : i32
          %dma_wait3A_91 = tpu.memref_slice %arg10[%dma_wait3A_89, %dma_wait3A_90] : memref<10240x128xf32, #tpu.memory_space<vmem_shared>> -> memref<10240x128xf32, #tpu.memory_space<vmem_shared>>
          tpu.wait_indirect_dma semaphore(%run_scoped3A : memref<!tpu.dma_semaphore, #tpu.memory_space<semaphore_mem>>) src(%arg9 : memref<128x128xf32, #tpu.memory_space<vmem>>) dst(%dma_wait3A_91 : memref<10240x128xf32, #tpu.memory_space<vmem_shared>>)
          tpu.yield
        }) : () -> ()
        %add3A_73 = arith.constant 1 : i32
        %add3A_74 = arith.addi %scan3A_57, %add3A_73 : i32
        %lt3A_75 = arith.constant 40 : i32
        %lt3A_76 = arith.cmpi slt, %add3A_74, %lt3A_75 : i32
        %convert_element_type3A_77 = arith.extui %lt3A_76 : i1 to i32
        %cond3A_78 = arith.constant 0 : i32
        %cond3A_79 = arith.cmpi ne, %convert_element_type3A_77, %cond3A_78 : i32
        scf.if %cond3A_79 {
          %add3A_80 = arith.constant 1 : i32
          %add3A_81 = arith.addi %scan3A_57, %add3A_80 : i32
          %dma_start3A_82 = arith.constant 0 : i32
          %dma_start3A_83 = tpu.memref_slice %arg6[%add3A_81, %dma_start3A_82] : memref<40x128xi32, #tpu.memory_space<vmem>> -> memref<1x128xi32, #tpu.memory_space<vmem>>
          %dma_start3A_84 = tpu.memref_squeeze %dma_start3A_83 : memref<1x128xi32, #tpu.memory_space<vmem>> -> memref<128xi32, #tpu.memory_space<vmem>>
          %dma_start3A_85 = arith.constant 0 : i32
          %dma_start3A_86 = arith.constant 0 : i32
          %dma_start3A_87 = tpu.memref_slice %arg2[%dma_start3A_85, %dma_start3A_86] : memref<10240x128xf32, #tpu.memory_space<hbm>> -> memref<10240x128xf32, #tpu.memory_space<hbm>>
          tpu.enqueue_indirect_dma source(%dma_start3A_87 : memref<10240x128xf32, #tpu.memory_space<hbm>>) target(%arg9 : memref<128x128xf32, #tpu.memory_space<vmem>>) offsets(%dma_start3A_84 : memref<128xi32, #tpu.memory_space<vmem>>) semaphore(%arg12 : memref<!tpu.dma_semaphore, #tpu.memory_space<semaphore_mem>>)
        } else {
        }
      }
      %scan3A_56 = arith.constant 40 : i32
    }
    %scan3A_25 = arith.constant 2 : i32
    %barrier3A_26 = arith.constant 0 : index
    tpu.barrier barrier_id(%barrier3A_26)
    %mul3A_27 = arith.constant 640 : i32
    %mul3A_28 = arith.muli %arg1, %mul3A_27 : i32
    %mul3A_29 = arith.constant 640 : i32
    %mul3A_30 = arith.muli %arg1, %mul3A_29 : i32
    "tpu.region"() ({
      %run_scoped3A = tpu.sem_alloc : memref<!tpu.dma_semaphore, #tpu.memory_space<semaphore_mem>>
      %dma_start3A = arith.constant 0 : i32
      %dma_start3A_31 = tpu.memref_slice %arg5[%arg0, %mul3A_30, %dma_start3A] : memref<2x10240x128xf32, #tpu.memory_space<hbm>> -> memref<1x640x128xf32, #tpu.memory_space<hbm>>
      %dma_start3A_32 = tpu.memref_squeeze %dma_start3A_31 : memref<1x640x128xf32, #tpu.memory_space<hbm>> -> memref<640x128xf32, #tpu.memory_space<hbm>>
      %dma_start3A_33 = arith.constant 0 : i32
      %dma_start3A_34 = tpu.memref_slice %arg10[%mul3A_28, %dma_start3A_33] : memref<10240x128xf32, #tpu.memory_space<vmem_shared>> -> memref<640x128xf32, #tpu.memory_space<vmem_shared>>
      tpu.enqueue_dma source(%dma_start3A_34 : memref<640x128xf32, #tpu.memory_space<vmem_shared>>) target(%dma_start3A_32 : memref<640x128xf32, #tpu.memory_space<hbm>>) target_semaphore(%run_scoped3A : memref<!tpu.dma_semaphore, #tpu.memory_space<semaphore_mem>>)
      %dma_wait3A = arith.constant 0 : i32
      %dma_wait3A_35 = tpu.memref_slice %arg5[%arg0, %mul3A_30, %dma_wait3A] : memref<2x10240x128xf32, #tpu.memory_space<hbm>> -> memref<1x640x128xf32, #tpu.memory_space<hbm>>
      %dma_wait3A_36 = tpu.memref_squeeze %dma_wait3A_35 : memref<1x640x128xf32, #tpu.memory_space<hbm>> -> memref<640x128xf32, #tpu.memory_space<hbm>>
      %dma_wait3A_37 = arith.constant 0 : i32
      %dma_wait3A_38 = tpu.memref_slice %arg10[%mul3A_28, %dma_wait3A_37] : memref<10240x128xf32, #tpu.memory_space<vmem_shared>> -> memref<640x128xf32, #tpu.memory_space<vmem_shared>>
      tpu.wait_dma2 semaphore(%run_scoped3A : memref<!tpu.dma_semaphore, #tpu.memory_space<semaphore_mem>>) src(%dma_wait3A_38 : memref<640x128xf32, #tpu.memory_space<vmem_shared>>) dst(%dma_wait3A_36 : memref<640x128xf32, #tpu.memory_space<hbm>>)
      tpu.yield
    }) : () -> ()
    return
  }
}

#map = affine_map<(d0, d1) -> (0, 0)>
#map1 = affine_map<(d0, d1) -> (0, 0, 0)>
module attributes {stable_mosaic.version = 14 : i64} {
  func.func @agg_kernel(%arg0: i32, %arg1: i32, %arg2: memref<10240x128xf32, #tpu.memory_space<hbm>>, %arg3: memref<2560x128xi32, #tpu.memory_space<hbm>>, %arg4: memref<2560x128xi32, #tpu.memory_space<hbm>>, %arg5: memref<2x10240x128xf32, #tpu.memory_space<hbm>>, %arg6: memref<40x128xi32, #tpu.memory_space<vmem>>, %arg7: memref<40x128xi32, #tpu.memory_space<vmem>>, %arg8: memref<128x128xf32, #tpu.memory_space<vmem>>, %arg9: memref<128x128xf32, #tpu.memory_space<vmem>>, %arg10: memref<10240x128xf32, #tpu.memory_space<vmem_shared>>, %arg11: memref<!tpu.dma_semaphore, #tpu.memory_space<semaphore_mem>>, %arg12: memref<!tpu.dma_semaphore, #tpu.memory_space<semaphore_mem>>) attributes {dimension_semantics = [#tpu.dimension_semantics<core_parallel>, #tpu.dimension_semantics<subcore_parallel>], iteration_bounds = array<i64: 2, 16>, scalar_prefetch = 0 : i64, scratch_operands = 7 : i64, tpu.core_type = #tpu.core_type<sc_vector_subcore>, window_params = [{transform_indices = #map}, {transform_indices = #map}, {transform_indices = #map}, {transform_indices = #map1}]} {
    %mul3A = arith.constant 2 : i32
    %mul3A_0 = arith.muli %arg1, %mul3A : i32
    %add3A = arith.addi %mul3A_0, %arg0 : i32
    %scan3A = arith.constant 0 : i32
    %scan3A_1 = arith.constant 0 : i32
    %scan3A_2 = arith.constant 128 : i32
    %scan3A_3 = arith.addi %scan3A_1, %scan3A_2 : i32
    %scan3A_4 = arith.constant 1 : i32
    scf.for %scan3A_31 = %scan3A_1 to %scan3A_3 step %scan3A_4  : i32 {
      %broadcast_in_dim3A = arith.constant 0.000000e+00 : f32
      %broadcast_in_dim3A_32 = vector.broadcast %broadcast_in_dim3A : f32 to vector<16xf32>
      %swap3A = arith.index_cast %scan3A_31 : i32 to index
      %swap3A_33 = arith.constant 0 : index
      %swap3A_34 = tpu.vector_load %arg8[%swap3A, %swap3A_33] {strides = array<i32>} : memref<128x128xf32, #tpu.memory_space<vmem>>, vector<1x16xf32>,
      %swap3A_35 = vector.shape_cast %swap3A_34 : vector<1x16xf32> to vector<16xf32>
      %swap3A_36 = vector.shape_cast %broadcast_in_dim3A_32 : vector<16xf32> to vector<1x16xf32>
      tpu.vector_store %arg8[%swap3A, %swap3A_33], %swap3A_36 {strides = array<i32>} : memref<128x128xf32, #tpu.memory_space<vmem>>, vector<1x16xf32>,
      %broadcast_in_dim3A_37 = arith.constant 0.000000e+00 : f32
      %broadcast_in_dim3A_38 = vector.broadcast %broadcast_in_dim3A_37 : f32 to vector<16xf32>
      %swap3A_39 = arith.index_cast %scan3A_31 : i32 to index
      %swap3A_40 = arith.constant 16 : index
      %swap3A_41 = tpu.vector_load %arg8[%swap3A_39, %swap3A_40] {strides = array<i32>} : memref<128x128xf32, #tpu.memory_space<vmem>>, vector<1x16xf32>,
      %swap3A_42 = vector.shape_cast %swap3A_41 : vector<1x16xf32> to vector<16xf32>
      %swap3A_43 = vector.shape_cast %broadcast_in_dim3A_38 : vector<16xf32> to vector<1x16xf32>
      tpu.vector_store %arg8[%swap3A_39, %swap3A_40], %swap3A_43 {strides = array<i32>} : memref<128x128xf32, #tpu.memory_space<vmem>>, vector<1x16xf32>,
      %broadcast_in_dim3A_44 = arith.constant 0.000000e+00 : f32
      %broadcast_in_dim3A_45 = vector.broadcast %broadcast_in_dim3A_44 : f32 to vector<16xf32>
      %swap3A_46 = arith.index_cast %scan3A_31 : i32 to index
      %swap3A_47 = arith.constant 32 : index
      %swap3A_48 = tpu.vector_load %arg8[%swap3A_46, %swap3A_47] {strides = array<i32>} : memref<128x128xf32, #tpu.memory_space<vmem>>, vector<1x16xf32>,
      %swap3A_49 = vector.shape_cast %swap3A_48 : vector<1x16xf32> to vector<16xf32>
      %swap3A_50 = vector.shape_cast %broadcast_in_dim3A_45 : vector<16xf32> to vector<1x16xf32>
      tpu.vector_store %arg8[%swap3A_46, %swap3A_47], %swap3A_50 {strides = array<i32>} : memref<128x128xf32, #tpu.memory_space<vmem>>, vector<1x16xf32>,
      %broadcast_in_dim3A_51 = arith.constant 0.000000e+00 : f32
      %broadcast_in_dim3A_52 = vector.broadcast %broadcast_in_dim3A_51 : f32 to vector<16xf32>
      %swap3A_53 = arith.index_cast %scan3A_31 : i32 to index
      %swap3A_54 = arith.constant 48 : index
      %swap3A_55 = tpu.vector_load %arg8[%swap3A_53, %swap3A_54] {strides = array<i32>} : memref<128x128xf32, #tpu.memory_space<vmem>>, vector<1x16xf32>,
      %swap3A_56 = vector.shape_cast %swap3A_55 : vector<1x16xf32> to vector<16xf32>
      %swap3A_57 = vector.shape_cast %broadcast_in_dim3A_52 : vector<16xf32> to vector<1x16xf32>
      tpu.vector_store %arg8[%swap3A_53, %swap3A_54], %swap3A_57 {strides = array<i32>} : memref<128x128xf32, #tpu.memory_space<vmem>>, vector<1x16xf32>,
      %broadcast_in_dim3A_58 = arith.constant 0.000000e+00 : f32
      %broadcast_in_dim3A_59 = vector.broadcast %broadcast_in_dim3A_58 : f32 to vector<16xf32>
      %swap3A_60 = arith.index_cast %scan3A_31 : i32 to index
      %swap3A_61 = arith.constant 64 : index
      %swap3A_62 = tpu.vector_load %arg8[%swap3A_60, %swap3A_61] {strides = array<i32>} : memref<128x128xf32, #tpu.memory_space<vmem>>, vector<1x16xf32>,
      %swap3A_63 = vector.shape_cast %swap3A_62 : vector<1x16xf32> to vector<16xf32>
      %swap3A_64 = vector.shape_cast %broadcast_in_dim3A_59 : vector<16xf32> to vector<1x16xf32>
      tpu.vector_store %arg8[%swap3A_60, %swap3A_61], %swap3A_64 {strides = array<i32>} : memref<128x128xf32, #tpu.memory_space<vmem>>, vector<1x16xf32>,
      %broadcast_in_dim3A_65 = arith.constant 0.000000e+00 : f32
      %broadcast_in_dim3A_66 = vector.broadcast %broadcast_in_dim3A_65 : f32 to vector<16xf32>
      %swap3A_67 = arith.index_cast %scan3A_31 : i32 to index
      %swap3A_68 = arith.constant 80 : index
      %swap3A_69 = tpu.vector_load %arg8[%swap3A_67, %swap3A_68] {strides = array<i32>} : memref<128x128xf32, #tpu.memory_space<vmem>>, vector<1x16xf32>,
      %swap3A_70 = vector.shape_cast %swap3A_69 : vector<1x16xf32> to vector<16xf32>
      %swap3A_71 = vector.shape_cast %broadcast_in_dim3A_66 : vector<16xf32> to vector<1x16xf32>
      tpu.vector_store %arg8[%swap3A_67, %swap3A_68], %swap3A_71 {strides = array<i32>} : memref<128x128xf32, #tpu.memory_space<vmem>>, vector<1x16xf32>,
      %broadcast_in_dim3A_72 = arith.constant 0.000000e+00 : f32
      %broadcast_in_dim3A_73 = vector.broadcast %broadcast_in_dim3A_72 : f32 to vector<16xf32>
      %swap3A_74 = arith.index_cast %scan3A_31 : i32 to index
      %swap3A_75 = arith.constant 96 : index
      %swap3A_76 = tpu.vector_load %arg8[%swap3A_74, %swap3A_75] {strides = array<i32>} : memref<128x128xf32, #tpu.memory_space<vmem>>, vector<1x16xf32>,
      %swap3A_77 = vector.shape_cast %swap3A_76 : vector<1x16xf32> to vector<16xf32>
      %swap3A_78 = vector.shape_cast %broadcast_in_dim3A_73 : vector<16xf32> to vector<1x16xf32>
      tpu.vector_store %arg8[%swap3A_74, %swap3A_75], %swap3A_78 {strides = array<i32>} : memref<128x128xf32, #tpu.memory_space<vmem>>, vector<1x16xf32>,
      %broadcast_in_dim3A_79 = arith.constant 0.000000e+00 : f32
      %broadcast_in_dim3A_80 = vector.broadcast %broadcast_in_dim3A_79 : f32 to vector<16xf32>
      %swap3A_81 = arith.index_cast %scan3A_31 : i32 to index
      %swap3A_82 = arith.constant 112 : index
      %swap3A_83 = tpu.vector_load %arg8[%swap3A_81, %swap3A_82] {strides = array<i32>} : memref<128x128xf32, #tpu.memory_space<vmem>>, vector<1x16xf32>,
      %swap3A_84 = vector.shape_cast %swap3A_83 : vector<1x16xf32> to vector<16xf32>
      %swap3A_85 = vector.shape_cast %broadcast_in_dim3A_80 : vector<16xf32> to vector<1x16xf32>
      tpu.vector_store %arg8[%swap3A_81, %swap3A_82], %swap3A_85 {strides = array<i32>} : memref<128x128xf32, #tpu.memory_space<vmem>>, vector<1x16xf32>,
    }
    %scan3A_5 = arith.constant 128 : i32
    %scan3A_6 = arith.constant 0 : i32
    %scan3A_7 = arith.constant 0 : i32
    %scan3A_8 = arith.constant 5 : i32
    %scan3A_9 = arith.addi %scan3A_7, %scan3A_8 : i32
    %scan3A_10 = arith.constant 1 : i32
    scf.for %scan3A_31 = %scan3A_7 to %scan3A_9 step %scan3A_10  : i32 {
      %mul3A_32 = arith.constant 640 : i32
      %mul3A_33 = arith.muli %arg1, %mul3A_32 : i32
      %mul3A_34 = arith.constant 128 : i32
      %mul3A_35 = arith.muli %scan3A_31, %mul3A_34 : i32
      %add3A_36 = arith.addi %mul3A_33, %mul3A_35 : i32
      %dma_start3A = arith.constant 0 : i32
      %dma_start3A_37 = tpu.memref_slice %arg10[%add3A_36, %dma_start3A] : memref<10240x128xf32, #tpu.memory_space<vmem_shared>> -> memref<128x128xf32, #tpu.memory_space<vmem_shared>>
      %dma_start3A_38 = arith.constant 0 : i32
      %dma_start3A_39 = tpu.memref_slice %arg10[%add3A_36, %dma_start3A_38] : memref<10240x128xf32, #tpu.memory_space<vmem_shared>> -> memref<128x128xf32, #tpu.memory_space<vmem_shared>>
      tpu.enqueue_dma source(%arg8 : memref<128x128xf32, #tpu.memory_space<vmem>>) target(%dma_start3A_39 : memref<128x128xf32, #tpu.memory_space<vmem_shared>>) target_semaphore(%arg11 : memref<!tpu.dma_semaphore, #tpu.memory_space<semaphore_mem>>)
    }
    %scan3A_11 = arith.constant 5 : i32
    %scan3A_12 = arith.constant 0 : i32
    %scan3A_13 = arith.constant 0 : i32
    %scan3A_14 = arith.constant 5 : i32
    %scan3A_15 = arith.addi %scan3A_13, %scan3A_14 : i32
    %scan3A_16 = arith.constant 1 : i32
    scf.for %scan3A_31 = %scan3A_13 to %scan3A_15 step %scan3A_16  : i32 {
      %mul3A_32 = arith.constant 640 : i32
      %mul3A_33 = arith.muli %arg1, %mul3A_32 : i32
      %dma_wait3A = arith.constant 0 : i32
      %dma_wait3A_34 = tpu.memref_slice %arg10[%mul3A_33, %dma_wait3A] : memref<10240x128xf32, #tpu.memory_space<vmem_shared>> -> memref<128x128xf32, #tpu.memory_space<vmem_shared>>
      %dma_wait3A_35 = arith.constant 0 : i32
      %dma_wait3A_36 = tpu.memref_slice %arg10[%mul3A_33, %dma_wait3A_35] : memref<10240x128xf32, #tpu.memory_space<vmem_shared>> -> memref<128x128xf32, #tpu.memory_space<vmem_shared>>
      tpu.wait_dma2 semaphore(%arg11 : memref<!tpu.dma_semaphore, #tpu.memory_space<semaphore_mem>>) src(%arg8 : memref<128x128xf32, #tpu.memory_space<vmem>>) dst(%dma_wait3A_36 : memref<128x128xf32, #tpu.memory_space<vmem_shared>>)
    }
    %scan3A_17 = arith.constant 5 : i32
    %barrier3A = arith.constant 0 : index
    tpu.barrier barrier_id(%barrier3A)
    %mul3A_18 = arith.constant 80 : i32
    %mul3A_19 = arith.muli %add3A, %mul3A_18 : i32
    %scan3A_20 = arith.constant 0 : i32
    %scan3A_21 = arith.constant 0 : i32
    %scan3A_22 = arith.constant 2 : i32
    %scan3A_23 = arith.addi %scan3A_21, %scan3A_22 : i32
    %scan3A_24 = arith.constant 1 : i32
    scf.for %scan3A_31 = %scan3A_21 to %scan3A_23 step %scan3A_24  : i32 {
      %mul3A_32 = arith.constant 40 : i32
      %mul3A_33 = arith.muli %scan3A_31, %mul3A_32 : i32
      %add3A_34 = arith.addi %mul3A_19, %mul3A_33 : i32
      "tpu.region"() ({
        %run_scoped3A = tpu.sem_alloc : memref<!tpu.dma_semaphore, #tpu.memory_space<semaphore_mem>>
        %dma_start3A_57 = arith.constant 0 : i32
        %dma_start3A_58 = tpu.memref_slice %arg3[%add3A_34, %dma_start3A_57] : memref<2560x128xi32, #tpu.memory_space<hbm>> -> memref<40x128xi32, #tpu.memory_space<hbm>>
        %dma_start3A_59 = arith.constant 0 : i32
        %dma_start3A_60 = tpu.memref_slice %arg3[%add3A_34, %dma_start3A_59] : memref<2560x128xi32, #tpu.memory_space<hbm>> -> memref<40x128xi32, #tpu.memory_space<hbm>>
        tpu.enqueue_dma source(%dma_start3A_60 : memref<40x128xi32, #tpu.memory_space<hbm>>) target(%arg6 : memref<40x128xi32, #tpu.memory_space<vmem>>) target_semaphore(%run_scoped3A : memref<!tpu.dma_semaphore, #tpu.memory_space<semaphore_mem>>)
        %dma_wait3A = arith.constant 0 : i32
        %dma_wait3A_61 = tpu.memref_slice %arg3[%add3A_34, %dma_wait3A] : memref<2560x128xi32, #tpu.memory_space<hbm>> -> memref<40x128xi32, #tpu.memory_space<hbm>>
        %dma_wait3A_62 = arith.constant 0 : i32
        %dma_wait3A_63 = tpu.memref_slice %arg3[%add3A_34, %dma_wait3A_62] : memref<2560x128xi32, #tpu.memory_space<hbm>> -> memref<40x128xi32, #tpu.memory_space<hbm>>
        tpu.wait_dma2 semaphore(%run_scoped3A : memref<!tpu.dma_semaphore, #tpu.memory_space<semaphore_mem>>) src(%dma_wait3A_63 : memref<40x128xi32, #tpu.memory_space<hbm>>) dst(%arg6 : memref<40x128xi32, #tpu.memory_space<vmem>>)
        tpu.yield
      }) : () -> ()
      %mul3A_35 = arith.constant 40 : i32
      %mul3A_36 = arith.muli %scan3A_31, %mul3A_35 : i32
      %add3A_37 = arith.addi %mul3A_19, %mul3A_36 : i32
      "tpu.region"() ({
        %run_scoped3A = tpu.sem_alloc : memref<!tpu.dma_semaphore, #tpu.memory_space<semaphore_mem>>
        %dma_start3A_57 = arith.constant 0 : i32
        %dma_start3A_58 = tpu.memref_slice %arg4[%add3A_37, %dma_start3A_57] : memref<2560x128xi32, #tpu.memory_space<hbm>> -> memref<40x128xi32, #tpu.memory_space<hbm>>
        %dma_start3A_59 = arith.constant 0 : i32
        %dma_start3A_60 = tpu.memref_slice %arg4[%add3A_37, %dma_start3A_59] : memref<2560x128xi32, #tpu.memory_space<hbm>> -> memref<40x128xi32, #tpu.memory_space<hbm>>
        tpu.enqueue_dma source(%dma_start3A_60 : memref<40x128xi32, #tpu.memory_space<hbm>>) target(%arg7 : memref<40x128xi32, #tpu.memory_space<vmem>>) target_semaphore(%run_scoped3A : memref<!tpu.dma_semaphore, #tpu.memory_space<semaphore_mem>>)
        %dma_wait3A = arith.constant 0 : i32
        %dma_wait3A_61 = tpu.memref_slice %arg4[%add3A_37, %dma_wait3A] : memref<2560x128xi32, #tpu.memory_space<hbm>> -> memref<40x128xi32, #tpu.memory_space<hbm>>
        %dma_wait3A_62 = arith.constant 0 : i32
        %dma_wait3A_63 = tpu.memref_slice %arg4[%add3A_37, %dma_wait3A_62] : memref<2560x128xi32, #tpu.memory_space<hbm>> -> memref<40x128xi32, #tpu.memory_space<hbm>>
        tpu.wait_dma2 semaphore(%run_scoped3A : memref<!tpu.dma_semaphore, #tpu.memory_space<semaphore_mem>>) src(%dma_wait3A_63 : memref<40x128xi32, #tpu.memory_space<hbm>>) dst(%arg7 : memref<40x128xi32, #tpu.memory_space<vmem>>)
        tpu.yield
      }) : () -> ()
      %dma_start3A = arith.constant 0 : i32
      %dma_start3A_38 = arith.constant 0 : i32
      %dma_start3A_39 = tpu.memref_slice %arg7[%dma_start3A, %dma_start3A_38] : memref<40x128xi32, #tpu.memory_space<vmem>> -> memref<1x128xi32, #tpu.memory_space<vmem>>
      %dma_start3A_40 = tpu.memref_squeeze %dma_start3A_39 : memref<1x128xi32, #tpu.memory_space<vmem>> -> memref<128xi32, #tpu.memory_space<vmem>>
      %dma_start3A_41 = arith.constant 0 : i32
      %dma_start3A_42 = arith.constant 0 : i32
      %dma_start3A_43 = tpu.memref_slice %arg2[%dma_start3A_41, %dma_start3A_42] : memref<10240x128xf32, #tpu.memory_space<hbm>> -> memref<10240x128xf32, #tpu.memory_space<hbm>>
      tpu.enqueue_indirect_dma source(%dma_start3A_43 : memref<10240x128xf32, #tpu.memory_space<hbm>>) target(%arg8 : memref<128x128xf32, #tpu.memory_space<vmem>>) offsets(%dma_start3A_40 : memref<128xi32, #tpu.memory_space<vmem>>) semaphore(%arg11 : memref<!tpu.dma_semaphore, #tpu.memory_space<semaphore_mem>>)
      %dma_start3A_44 = arith.constant 0 : i32
      %dma_start3A_45 = arith.constant 0 : i32
      %dma_start3A_46 = tpu.memref_slice %arg6[%dma_start3A_44, %dma_start3A_45] : memref<40x128xi32, #tpu.memory_space<vmem>> -> memref<1x128xi32, #tpu.memory_space<vmem>>
      %dma_start3A_47 = tpu.memref_squeeze %dma_start3A_46 : memref<1x128xi32, #tpu.memory_space<vmem>> -> memref<128xi32, #tpu.memory_space<vmem>>
      %dma_start3A_48 = arith.constant 0 : i32
      %dma_start3A_49 = arith.constant 0 : i32
      %dma_start3A_50 = tpu.memref_slice %arg2[%dma_start3A_48, %dma_start3A_49] : memref<10240x128xf32, #tpu.memory_space<hbm>> -> memref<10240x128xf32, #tpu.memory_space<hbm>>
      tpu.enqueue_indirect_dma source(%dma_start3A_50 : memref<10240x128xf32, #tpu.memory_space<hbm>>) target(%arg9 : memref<128x128xf32, #tpu.memory_space<vmem>>) offsets(%dma_start3A_47 : memref<128xi32, #tpu.memory_space<vmem>>) semaphore(%arg12 : memref<!tpu.dma_semaphore, #tpu.memory_space<semaphore_mem>>)
      %scan3A_51 = arith.constant 0 : i32
      %scan3A_52 = arith.constant 0 : i32
      %scan3A_53 = arith.constant 40 : i32
      %scan3A_54 = arith.addi %scan3A_52, %scan3A_53 : i32
      %scan3A_55 = arith.constant 1 : i32
      scf.for %scan3A_57 = %scan3A_52 to %scan3A_54 step %scan3A_55  : i32 {
        %dma_wait3A = arith.constant 0 : i32
        %dma_wait3A_58 = tpu.memref_slice %arg7[%scan3A_57, %dma_wait3A] : memref<40x128xi32, #tpu.memory_space<vmem>> -> memref<1x128xi32, #tpu.memory_space<vmem>>
        %dma_wait3A_59 = tpu.memref_squeeze %dma_wait3A_58 : memref<1x128xi32, #tpu.memory_space<vmem>> -> memref<128xi32, #tpu.memory_space<vmem>>
        %dma_wait3A_60 = arith.constant 0 : i32
        %dma_wait3A_61 = arith.constant 0 : i32
        %dma_wait3A_62 = tpu.memref_slice %arg2[%dma_wait3A_60, %dma_wait3A_61] : memref<10240x128xf32, #tpu.memory_space<hbm>> -> memref<10240x128xf32, #tpu.memory_space<hbm>>
        tpu.wait_indirect_dma semaphore(%arg11 : memref<!tpu.dma_semaphore, #tpu.memory_space<semaphore_mem>>) src(%dma_wait3A_62 : memref<10240x128xf32, #tpu.memory_space<hbm>>) dst(%arg8 : memref<128x128xf32, #tpu.memory_space<vmem>>)
        "tpu.region"() ({
          %run_scoped3A = tpu.sem_alloc : memref<!tpu.dma_semaphore, #tpu.memory_space<semaphore_mem>>
          %dma_start3A_80 = arith.constant 0 : i32
          %dma_start3A_81 = tpu.memref_slice %arg6[%scan3A_57, %dma_start3A_80] : memref<40x128xi32, #tpu.memory_space<vmem>> -> memref<1x128xi32, #tpu.memory_space<vmem>>
          %dma_start3A_82 = tpu.memref_squeeze %dma_start3A_81 : memref<1x128xi32, #tpu.memory_space<vmem>> -> memref<128xi32, #tpu.memory_space<vmem>>
          %dma_start3A_83 = arith.constant 0 : i32
          %dma_start3A_84 = arith.constant 0 : i32
          %dma_start3A_85 = tpu.memref_slice %arg10[%dma_start3A_83, %dma_start3A_84] : memref<10240x128xf32, #tpu.memory_space<vmem_shared>> -> memref<10240x128xf32, #tpu.memory_space<vmem_shared>>
          tpu.enqueue_indirect_dma source(%arg8 : memref<128x128xf32, #tpu.memory_space<vmem>>) target(%dma_start3A_85 : memref<10240x128xf32, #tpu.memory_space<vmem_shared>>) offsets(%dma_start3A_82 : memref<128xi32, #tpu.memory_space<vmem>>) semaphore(%run_scoped3A : memref<!tpu.dma_semaphore, #tpu.memory_space<semaphore_mem>>) {add = true}
          %dma_wait3A_86 = arith.constant 0 : i32
          %dma_wait3A_87 = tpu.memref_slice %arg6[%scan3A_57, %dma_wait3A_86] : memref<40x128xi32, #tpu.memory_space<vmem>> -> memref<1x128xi32, #tpu.memory_space<vmem>>
          %dma_wait3A_88 = tpu.memref_squeeze %dma_wait3A_87 : memref<1x128xi32, #tpu.memory_space<vmem>> -> memref<128xi32, #tpu.memory_space<vmem>>
          %dma_wait3A_89 = arith.constant 0 : i32
          %dma_wait3A_90 = arith.constant 0 : i32
          %dma_wait3A_91 = tpu.memref_slice %arg10[%dma_wait3A_89, %dma_wait3A_90] : memref<10240x128xf32, #tpu.memory_space<vmem_shared>> -> memref<10240x128xf32, #tpu.memory_space<vmem_shared>>
          tpu.wait_indirect_dma semaphore(%run_scoped3A : memref<!tpu.dma_semaphore, #tpu.memory_space<semaphore_mem>>) src(%arg8 : memref<128x128xf32, #tpu.memory_space<vmem>>) dst(%dma_wait3A_91 : memref<10240x128xf32, #tpu.memory_space<vmem_shared>>)
          tpu.yield
        }) : () -> ()
        %add3A_63 = arith.constant 1 : i32
        %add3A_64 = arith.addi %scan3A_57, %add3A_63 : i32
        %lt3A = arith.constant 40 : i32
        %lt3A_65 = arith.cmpi slt, %add3A_64, %lt3A : i32
        %convert_element_type3A = arith.extui %lt3A_65 : i1 to i32
        %cond3A = arith.constant 0 : i32
        %cond3A_66 = arith.cmpi ne, %convert_element_type3A, %cond3A : i32
        scf.if %cond3A_66 {
          %add3A_80 = arith.constant 1 : i32
          %add3A_81 = arith.addi %scan3A_57, %add3A_80 : i32
          %dma_start3A_82 = arith.constant 0 : i32
          %dma_start3A_83 = tpu.memref_slice %arg7[%add3A_81, %dma_start3A_82] : memref<40x128xi32, #tpu.memory_space<vmem>> -> memref<1x128xi32, #tpu.memory_space<vmem>>
          %dma_start3A_84 = tpu.memref_squeeze %dma_start3A_83 : memref<1x128xi32, #tpu.memory_space<vmem>> -> memref<128xi32, #tpu.memory_space<vmem>>
          %dma_start3A_85 = arith.constant 0 : i32
          %dma_start3A_86 = arith.constant 0 : i32
          %dma_start3A_87 = tpu.memref_slice %arg2[%dma_start3A_85, %dma_start3A_86] : memref<10240x128xf32, #tpu.memory_space<hbm>> -> memref<10240x128xf32, #tpu.memory_space<hbm>>
          tpu.enqueue_indirect_dma source(%dma_start3A_87 : memref<10240x128xf32, #tpu.memory_space<hbm>>) target(%arg8 : memref<128x128xf32, #tpu.memory_space<vmem>>) offsets(%dma_start3A_84 : memref<128xi32, #tpu.memory_space<vmem>>) semaphore(%arg11 : memref<!tpu.dma_semaphore, #tpu.memory_space<semaphore_mem>>)
        } else {
        }
        %dma_wait3A_67 = arith.constant 0 : i32
        %dma_wait3A_68 = tpu.memref_slice %arg6[%scan3A_57, %dma_wait3A_67] : memref<40x128xi32, #tpu.memory_space<vmem>> -> memref<1x128xi32, #tpu.memory_space<vmem>>
        %dma_wait3A_69 = tpu.memref_squeeze %dma_wait3A_68 : memref<1x128xi32, #tpu.memory_space<vmem>> -> memref<128xi32, #tpu.memory_space<vmem>>
        %dma_wait3A_70 = arith.constant 0 : i32
        %dma_wait3A_71 = arith.constant 0 : i32
        %dma_wait3A_72 = tpu.memref_slice %arg2[%dma_wait3A_70, %dma_wait3A_71] : memref<10240x128xf32, #tpu.memory_space<hbm>> -> memref<10240x128xf32, #tpu.memory_space<hbm>>
        tpu.wait_indirect_dma semaphore(%arg12 : memref<!tpu.dma_semaphore, #tpu.memory_space<semaphore_mem>>) src(%dma_wait3A_72 : memref<10240x128xf32, #tpu.memory_space<hbm>>) dst(%arg9 : memref<128x128xf32, #tpu.memory_space<vmem>>)
        "tpu.region"() ({
          %run_scoped3A = tpu.sem_alloc : memref<!tpu.dma_semaphore, #tpu.memory_space<semaphore_mem>>
          %dma_start3A_80 = arith.constant 0 : i32
          %dma_start3A_81 = tpu.memref_slice %arg7[%scan3A_57, %dma_start3A_80] : memref<40x128xi32, #tpu.memory_space<vmem>> -> memref<1x128xi32, #tpu.memory_space<vmem>>
          %dma_start3A_82 = tpu.memref_squeeze %dma_start3A_81 : memref<1x128xi32, #tpu.memory_space<vmem>> -> memref<128xi32, #tpu.memory_space<vmem>>
          %dma_start3A_83 = arith.constant 0 : i32
          %dma_start3A_84 = arith.constant 0 : i32
          %dma_start3A_85 = tpu.memref_slice %arg10[%dma_start3A_83, %dma_start3A_84] : memref<10240x128xf32, #tpu.memory_space<vmem_shared>> -> memref<10240x128xf32, #tpu.memory_space<vmem_shared>>
          tpu.enqueue_indirect_dma source(%arg9 : memref<128x128xf32, #tpu.memory_space<vmem>>) target(%dma_start3A_85 : memref<10240x128xf32, #tpu.memory_space<vmem_shared>>) offsets(%dma_start3A_82 : memref<128xi32, #tpu.memory_space<vmem>>) semaphore(%run_scoped3A : memref<!tpu.dma_semaphore, #tpu.memory_space<semaphore_mem>>) {add = true}
          %dma_wait3A_86 = arith.constant 0 : i32
          %dma_wait3A_87 = tpu.memref_slice %arg7[%scan3A_57, %dma_wait3A_86] : memref<40x128xi32, #tpu.memory_space<vmem>> -> memref<1x128xi32, #tpu.memory_space<vmem>>
          %dma_wait3A_88 = tpu.memref_squeeze %dma_wait3A_87 : memref<1x128xi32, #tpu.memory_space<vmem>> -> memref<128xi32, #tpu.memory_space<vmem>>
          %dma_wait3A_89 = arith.constant 0 : i32
          %dma_wait3A_90 = arith.constant 0 : i32
          %dma_wait3A_91 = tpu.memref_slice %arg10[%dma_wait3A_89, %dma_wait3A_90] : memref<10240x128xf32, #tpu.memory_space<vmem_shared>> -> memref<10240x128xf32, #tpu.memory_space<vmem_shared>>
          tpu.wait_indirect_dma semaphore(%run_scoped3A : memref<!tpu.dma_semaphore, #tpu.memory_space<semaphore_mem>>) src(%arg9 : memref<128x128xf32, #tpu.memory_space<vmem>>) dst(%dma_wait3A_91 : memref<10240x128xf32, #tpu.memory_space<vmem_shared>>)
          tpu.yield
        }) : () -> ()
        %add3A_73 = arith.constant 1 : i32
        %add3A_74 = arith.addi %scan3A_57, %add3A_73 : i32
        %lt3A_75 = arith.constant 40 : i32
        %lt3A_76 = arith.cmpi slt, %add3A_74, %lt3A_75 : i32
        %convert_element_type3A_77 = arith.extui %lt3A_76 : i1 to i32
        %cond3A_78 = arith.constant 0 : i32
        %cond3A_79 = arith.cmpi ne, %convert_element_type3A_77, %cond3A_78 : i32
        scf.if %cond3A_79 {
          %add3A_80 = arith.constant 1 : i32
          %add3A_81 = arith.addi %scan3A_57, %add3A_80 : i32
          %dma_start3A_82 = arith.constant 0 : i32
          %dma_start3A_83 = tpu.memref_slice %arg6[%add3A_81, %dma_start3A_82] : memref<40x128xi32, #tpu.memory_space<vmem>> -> memref<1x128xi32, #tpu.memory_space<vmem>>
          %dma_start3A_84 = tpu.memref_squeeze %dma_start3A_83 : memref<1x128xi32, #tpu.memory_space<vmem>> -> memref<128xi32, #tpu.memory_space<vmem>>
          %dma_start3A_85 = arith.constant 0 : i32
          %dma_start3A_86 = arith.constant 0 : i32
          %dma_start3A_87 = tpu.memref_slice %arg2[%dma_start3A_85, %dma_start3A_86] : memref<10240x128xf32, #tpu.memory_space<hbm>> -> memref<10240x128xf32, #tpu.memory_space<hbm>>
          tpu.enqueue_indirect_dma source(%dma_start3A_87 : memref<10240x128xf32, #tpu.memory_space<hbm>>) target(%arg9 : memref<128x128xf32, #tpu.memory_space<vmem>>) offsets(%dma_start3A_84 : memref<128xi32, #tpu.memory_space<vmem>>) semaphore(%arg12 : memref<!tpu.dma_semaphore, #tpu.memory_space<semaphore_mem>>)
        } else {
        }
      }
      %scan3A_56 = arith.constant 40 : i32
    }
    %scan3A_25 = arith.constant 2 : i32
    %barrier3A_26 = arith.constant 0 : index
    tpu.barrier barrier_id(%barrier3A_26)
    %mul3A_27 = arith.constant 640 : i32
    %mul3A_28 = arith.muli %arg1, %mul3A_27 : i32
    %mul3A_29 = arith.constant 640 : i32
    %mul3A_30 = arith.muli %arg1, %mul3A_29 : i32
    "tpu.region"() ({
      %run_scoped3A = tpu.sem_alloc : memref<!tpu.dma_semaphore, #tpu.memory_space<semaphore_mem>>
      %dma_start3A = arith.constant 0 : i32
      %dma_start3A_31 = tpu.memref_slice %arg5[%arg0, %mul3A_30, %dma_start3A] : memref<2x10240x128xf32, #tpu.memory_space<hbm>> -> memref<1x640x128xf32, #tpu.memory_space<hbm>>
      %dma_start3A_32 = tpu.memref_squeeze %dma_start3A_31 : memref<1x640x128xf32, #tpu.memory_space<hbm>> -> memref<640x128xf32, #tpu.memory_space<hbm>>
      %dma_start3A_33 = arith.constant 0 : i32
      %dma_start3A_34 = tpu.memref_slice %arg10[%mul3A_28, %dma_start3A_33] : memref<10240x128xf32, #tpu.memory_space<vmem_shared>> -> memref<640x128xf32, #tpu.memory_space<vmem_shared>>
      tpu.enqueue_dma source(%dma_start3A_34 : memref<640x128xf32, #tpu.memory_space<vmem_shared>>) target(%dma_start3A_32 : memref<640x128xf32, #tpu.memory_space<hbm>>) target_semaphore(%run_scoped3A : memref<!tpu.dma_semaphore, #tpu.memory_space<semaphore_mem>>)
      %dma_wait3A = arith.constant 0 : i32
      %dma_wait3A_35 = tpu.memref_slice %arg5[%arg0, %mul3A_30, %dma_wait3A] : memref<2x10240x128xf32, #tpu.memory_space<hbm>> -> memref<1x640x128xf32, #tpu.memory_space<hbm>>
      %dma_wait3A_36 = tpu.memref_squeeze %dma_wait3A_35 : memref<1x640x128xf32, #tpu.memory_space<hbm>> -> memref<640x128xf32, #tpu.memory_space<hbm>>
      %dma_wait3A_37 = arith.constant 0 : i32
      %dma_wait3A_38 = tpu.memref_slice %arg10[%mul3A_28, %dma_wait3A_37] : memref<10240x128xf32, #tpu.memory_space<vmem_shared>> -> memref<640x128xf32, #tpu.memory_space<vmem_shared>>
      tpu.wait_dma2 semaphore(%run_scoped3A : memref<!tpu.dma_semaphore, #tpu.memory_space<semaphore_mem>>) src(%dma_wait3A_38 : memref<640x128xf32, #tpu.memory_space<vmem_shared>>) dst(%dma_wait3A_36 : memref<640x128xf32, #tpu.memory_space<hbm>>)
      tpu.yield
    }) : () -> ()
    return
  }
}

module attributes {stable_mosaic.version = 14 : i64} {
  func.func @_head_body(%arg0: i32, %arg1: memref<2000x1xf32, #tpu.memory_space<vmem>>, %arg2: memref<2000x1xf32, #tpu.memory_space<vmem>>, %arg3: memref<2000x128xf32, #tpu.memory_space<vmem>>, %arg4: memref<128x128xf32, #tpu.memory_space<vmem>>, %arg5: memref<1x128xf32, #tpu.memory_space<vmem>>, %arg6: memref<128x128xf32, #tpu.memory_space<vmem>>, %arg7: memref<1x128xf32, #tpu.memory_space<vmem>>, %arg8: memref<2000x128xf32, #tpu.memory_space<vmem>>, %arg9: memref<2000x1xf32, #tpu.memory_space<vmem>>) attributes {dimension_semantics = [#tpu.dimension_semantics<arbitrary>], iteration_bounds = array<i64: 5>, scalar_prefetch = 0 : i64, scratch_operands = 0 : i64, tpu.core_type = #tpu.core_type<tc>, window_params = [{transform_indices = @transform_0, window_bounds = array<i64: 2000, 1>}, {transform_indices = @transform_1, window_bounds = array<i64: 2000, 1>}, {transform_indices = @transform_2, window_bounds = array<i64: 2000, 128>}, {pipeline_mode = #tpu.pipeline_mode<synchronous>, transform_indices = @transform_3, window_bounds = array<i64: 128, 128>}, {pipeline_mode = #tpu.pipeline_mode<synchronous>, transform_indices = @transform_4, window_bounds = array<i64: 1, 128>}, {pipeline_mode = #tpu.pipeline_mode<synchronous>, transform_indices = @transform_5, window_bounds = array<i64: 128, 128>}, {pipeline_mode = #tpu.pipeline_mode<synchronous>, transform_indices = @transform_6, window_bounds = array<i64: 1, 128>}, {transform_indices = @transform_7, window_bounds = array<i64: 2000, 128>}, {transform_indices = @transform_8, window_bounds = array<i64: 2000, 1>}]} {
    %get3A = arith.constant 0 : index
    %get3A_0 = arith.constant 0 : index
    %get3A_1 = vector.load %arg1[%get3A, %get3A_0] : memref<2000x1xf32, #tpu.memory_space<vmem>>, vector<2000x1xf32>
    %get3A_2 = arith.constant 0 : index
    %get3A_3 = arith.constant 0 : index
    %get3A_4 = vector.load %arg2[%get3A_2, %get3A_3] : memref<2000x1xf32, #tpu.memory_space<vmem>>, vector<2000x1xf32>
    %add3A = arith.addf %get3A_1, %get3A_4 : vector<2000x1xf32>
    %gt3A = arith.constant 0.000000e+00 : f32
    %gt3A_5 = vector.broadcast %gt3A : f32 to vector<2000x1xf32>
    %gt3A_6 = arith.cmpf ogt, %add3A, %gt3A_5 : vector<2000x1xf32>
    %rsqrt3A = math.rsqrt %add3A : vector<2000x1xf32>
    %jit3A = arith.constant 0.000000e+00 : f32
    %broadcast_in_dim3A = vector.broadcast %jit3A : f32 to vector<2000x1xf32>
    %select_n3A = arith.select %gt3A_6, %rsqrt3A, %broadcast_in_dim3A : vector<2000x1xi1>, vector<2000x1xf32>
    %get3A_7 = arith.constant 0 : index
    %get3A_8 = arith.constant 0 : index
    %get3A_9 = vector.load %arg3[%get3A_7, %get3A_8] : memref<2000x128xf32, #tpu.memory_space<vmem>>, vector<2000x128xf32>
    %get3A_10 = arith.constant 0 : index
    %get3A_11 = arith.constant 0 : index
    %get3A_12 = vector.load %arg4[%get3A_10, %get3A_11] : memref<128x128xf32, #tpu.memory_space<vmem>>, vector<128x128xf32>
    %dot_general3A = arith.constant dense<0.000000e+00> : vector<2000x128xf32>
    %dot_general3A_13 = tpu.matmul %get3A_9, %get3A_12, %dot_general3A {dimension_numbers = #tpu.dot_dimension_numbers<[1], [0], [0], [1], [0, 0, 1, 1], [], []>, transpose_lhs_hint = false} : vector<2000x128xf32>, vector<128x128xf32>, vector<2000x128xf32> -> vector<2000x128xf32>
    %get3A_14 = arith.constant 0 : index
    %get3A_15 = arith.constant 0 : index
    %get3A_16 = vector.load %arg5[%get3A_14, %get3A_15] : memref<1x128xf32, #tpu.memory_space<vmem>>, vector<1x128xf32>
    %add3A_17 = vector.broadcast %get3A_16 : vector<1x128xf32> to vector<2000x128xf32>
    %add3A_18 = arith.addf %dot_general3A_13, %add3A_17 : vector<2000x128xf32>
    %get3A_19 = arith.constant 0 : index
    %get3A_20 = arith.constant 0 : index
    %get3A_21 = vector.load %arg6[%get3A_19, %get3A_20] : memref<128x128xf32, #tpu.memory_space<vmem>>, vector<128x128xf32>
    %dot_general3A_22 = arith.constant dense<0.000000e+00> : vector<2000x128xf32>
    %dot_general3A_23 = tpu.matmul %add3A_18, %get3A_21, %dot_general3A_22 {dimension_numbers = #tpu.dot_dimension_numbers<[1], [0], [0], [1], [0, 0, 1, 1], [], []>, transpose_lhs_hint = false} : vector<2000x128xf32>, vector<128x128xf32>, vector<2000x128xf32> -> vector<2000x128xf32>
    %get3A_24 = arith.constant 0 : index
    %get3A_25 = arith.constant 0 : index
    %get3A_26 = vector.load %arg7[%get3A_24, %get3A_25] : memref<1x128xf32, #tpu.memory_space<vmem>>, vector<1x128xf32>
    %add3A_27 = vector.broadcast %get3A_26 : vector<1x128xf32> to vector<2000x128xf32>
    %add3A_28 = arith.addf %dot_general3A_23, %add3A_27 : vector<2000x128xf32>
    %max3A = arith.constant 0.000000e+00 : f32
    %max3A_29 = vector.broadcast %max3A : f32 to vector<2000x128xf32>
    %max3A_30 = arith.maximumf %add3A_28, %max3A_29 : vector<2000x128xf32>
    %mul3A = vector.broadcast %select_n3A : vector<2000x1xf32> to vector<2000x128xf32>
    %mul3A_31 = arith.mulf %max3A_30, %mul3A : vector<2000x128xf32>
    %swap3A = arith.constant 0 : index
    %swap3A_32 = arith.constant 0 : index
    %swap3A_33 = vector.load %arg8[%swap3A, %swap3A_32] : memref<2000x128xf32, #tpu.memory_space<vmem>>, vector<2000x128xf32>
    tpu.vector_store %arg8[%swap3A, %swap3A_32], %mul3A_31 {strides = array<i32>} : memref<2000x128xf32, #tpu.memory_space<vmem>>, vector<2000x128xf32>,
    %swap3A_34 = arith.constant 0 : index
    %swap3A_35 = arith.constant 0 : index
    %swap3A_36 = vector.load %arg9[%swap3A_34, %swap3A_35] : memref<2000x1xf32, #tpu.memory_space<vmem>>, vector<2000x1xf32>
    tpu.vector_store %arg9[%swap3A_34, %swap3A_35], %select_n3A {strides = array<i32>} : memref<2000x1xf32, #tpu.memory_space<vmem>>, vector<2000x1xf32>,
    return
  }
  func.func @transform_0(%arg0: i32) -> (i32, i32) {
    %c0_i32 = arith.constant 0 : i32
    %c0_i32_0 = arith.constant 0 : i32
    return %arg0, %c0_i32 : i32, i32
  }
  func.func @transform_1(%arg0: i32) -> (i32, i32) {
    %c0_i32 = arith.constant 0 : i32
    %c0_i32_0 = arith.constant 0 : i32
    return %arg0, %c0_i32 : i32, i32
  }
  func.func @transform_2(%arg0: i32) -> (i32, i32) {
    %c0_i32 = arith.constant 0 : i32
    %c0_i32_0 = arith.constant 0 : i32
    return %arg0, %c0_i32 : i32, i32
  }
  func.func @transform_3(%arg0: i32) -> (i32, i32) {
    %c0_i32 = arith.constant 0 : i32
    %c0_i32_0 = arith.constant 0 : i32
    %c0_i32_1 = arith.constant 0 : i32
    return %c0_i32, %c0_i32_0 : i32, i32
  }
  func.func @transform_4(%arg0: i32) -> (i32, i32) {
    %c0_i32 = arith.constant 0 : i32
    %c0_i32_0 = arith.constant 0 : i32
    %c0_i32_1 = arith.constant 0 : i32
    return %c0_i32, %c0_i32_0 : i32, i32
  }
  func.func @transform_5(%arg0: i32) -> (i32, i32) {
    %c0_i32 = arith.constant 0 : i32
    %c0_i32_0 = arith.constant 0 : i32
    %c0_i32_1 = arith.constant 0 : i32
    return %c0_i32, %c0_i32_0 : i32, i32
  }
  func.func @transform_6(%arg0: i32) -> (i32, i32) {
    %c0_i32 = arith.constant 0 : i32
    %c0_i32_0 = arith.constant 0 : i32
    %c0_i32_1 = arith.constant 0 : i32
    return %c0_i32, %c0_i32_0 : i32, i32
  }
  func.func @transform_7(%arg0: i32) -> (i32, i32) {
    %c0_i32 = arith.constant 0 : i32
    %c0_i32_0 = arith.constant 0 : i32
    return %arg0, %c0_i32 : i32, i32
  }
  func.func @transform_8(%arg0: i32) -> (i32, i32) {
    %c0_i32 = arith.constant 0 : i32
    %c0_i32_0 = arith.constant 0 : i32
    return %arg0, %c0_i32 : i32, i32
  }
}

module attributes {stable_mosaic.version = 14 : i64} {
  func.func @_mid_body(%arg0: i32, %arg1: memref<1x2000x128xf32, #tpu.memory_space<vmem>>, %arg2: memref<1x2000x128xf32, #tpu.memory_space<vmem>>, %arg3: memref<2000x1xf32, #tpu.memory_space<vmem>>, %arg4: memref<128x128xf32, #tpu.memory_space<vmem>>, %arg5: memref<1x128xf32, #tpu.memory_space<vmem>>, %arg6: memref<2000x128xf32, #tpu.memory_space<vmem>>) attributes {dimension_semantics = [#tpu.dimension_semantics<arbitrary>], iteration_bounds = array<i64: 5>, scalar_prefetch = 0 : i64, scratch_operands = 0 : i64, tpu.core_type = #tpu.core_type<tc>, window_params = [{transform_indices = @transform_0, window_bounds = array<i64: 1, 2000, 128>}, {transform_indices = @transform_1, window_bounds = array<i64: 1, 2000, 128>}, {transform_indices = @transform_2, window_bounds = array<i64: 2000, 1>}, {pipeline_mode = #tpu.pipeline_mode<synchronous>, transform_indices = @transform_3, window_bounds = array<i64: 128, 128>}, {pipeline_mode = #tpu.pipeline_mode<synchronous>, transform_indices = @transform_4, window_bounds = array<i64: 1, 128>}, {transform_indices = @transform_5, window_bounds = array<i64: 2000, 128>}]} {
    %get3A = arith.constant 0 : index
    %get3A_0 = arith.constant 0 : index
    %get3A_1 = vector.load %arg3[%get3A, %get3A_0] : memref<2000x1xf32, #tpu.memory_space<vmem>>, vector<2000x1xf32>
    %get3A_2 = arith.constant 0 : index
    %get3A_3 = arith.constant 0 : index
    %get3A_4 = arith.constant 0 : index
    %get3A_5 = vector.load %arg1[%get3A_2, %get3A_3, %get3A_4] : memref<1x2000x128xf32, #tpu.memory_space<vmem>>, vector<1x2000x128xf32>
    %get3A_6 = vector.shape_cast %get3A_5 : vector<1x2000x128xf32> to vector<2000x128xf32>
    %get3A_7 = arith.constant 0 : index
    %get3A_8 = arith.constant 0 : index
    %get3A_9 = arith.constant 0 : index
    %get3A_10 = vector.load %arg2[%get3A_7, %get3A_8, %get3A_9] : memref<1x2000x128xf32, #tpu.memory_space<vmem>>, vector<1x2000x128xf32>
    %get3A_11 = vector.shape_cast %get3A_10 : vector<1x2000x128xf32> to vector<2000x128xf32>
    %add3A = arith.addf %get3A_6, %get3A_11 : vector<2000x128xf32>
    %mul3A = vector.broadcast %get3A_1 : vector<2000x1xf32> to vector<2000x128xf32>
    %mul3A_12 = arith.mulf %add3A, %mul3A : vector<2000x128xf32>
    %get3A_13 = arith.constant 0 : index
    %get3A_14 = arith.constant 0 : index
    %get3A_15 = vector.load %arg4[%get3A_13, %get3A_14] : memref<128x128xf32, #tpu.memory_space<vmem>>, vector<128x128xf32>
    %dot_general3A = arith.constant dense<0.000000e+00> : vector<2000x128xf32>
    %dot_general3A_16 = tpu.matmul %mul3A_12, %get3A_15, %dot_general3A {dimension_numbers = #tpu.dot_dimension_numbers<[1], [0], [0], [1], [0, 0, 1, 1], [], []>, transpose_lhs_hint = false} : vector<2000x128xf32>, vector<128x128xf32>, vector<2000x128xf32> -> vector<2000x128xf32>
    %get3A_17 = arith.constant 0 : index
    %get3A_18 = arith.constant 0 : index
    %get3A_19 = vector.load %arg5[%get3A_17, %get3A_18] : memref<1x128xf32, #tpu.memory_space<vmem>>, vector<1x128xf32>
    %add3A_20 = vector.broadcast %get3A_19 : vector<1x128xf32> to vector<2000x128xf32>
    %add3A_21 = arith.addf %dot_general3A_16, %add3A_20 : vector<2000x128xf32>
    %max3A = arith.constant 0.000000e+00 : f32
    %max3A_22 = vector.broadcast %max3A : f32 to vector<2000x128xf32>
    %max3A_23 = arith.maximumf %add3A_21, %max3A_22 : vector<2000x128xf32>
    %mul3A_24 = vector.broadcast %get3A_1 : vector<2000x1xf32> to vector<2000x128xf32>
    %mul3A_25 = arith.mulf %max3A_23, %mul3A_24 : vector<2000x128xf32>
    %swap3A = arith.constant 0 : index
    %swap3A_26 = arith.constant 0 : index
    %swap3A_27 = vector.load %arg6[%swap3A, %swap3A_26] : memref<2000x128xf32, #tpu.memory_space<vmem>>, vector<2000x128xf32>
    tpu.vector_store %arg6[%swap3A, %swap3A_26], %mul3A_25 {strides = array<i32>} : memref<2000x128xf32, #tpu.memory_space<vmem>>, vector<2000x128xf32>,
    return
  }
  func.func @transform_0(%arg0: i32) -> (i32, i32, i32) {
    %c0_i32 = arith.constant 0 : i32
    %c0_i32_0 = arith.constant 0 : i32
    %c0_i32_1 = arith.constant 0 : i32
    return %c0_i32, %arg0, %c0_i32_0 : i32, i32, i32
  }
  func.func @transform_1(%arg0: i32) -> (i32, i32, i32) {
    %c1_i32 = arith.constant 1 : i32
    %c0_i32 = arith.constant 0 : i32
    %c0_i32_0 = arith.constant 0 : i32
    return %c1_i32, %arg0, %c0_i32 : i32, i32, i32
  }
  func.func @transform_2(%arg0: i32) -> (i32, i32) {
    %c0_i32 = arith.constant 0 : i32
    %c0_i32_0 = arith.constant 0 : i32
    return %arg0, %c0_i32 : i32, i32
  }
  func.func @transform_3(%arg0: i32) -> (i32, i32) {
    %c0_i32 = arith.constant 0 : i32
    %c0_i32_0 = arith.constant 0 : i32
    %c0_i32_1 = arith.constant 0 : i32
    return %c0_i32, %c0_i32_0 : i32, i32
  }
  func.func @transform_4(%arg0: i32) -> (i32, i32) {
    %c0_i32 = arith.constant 0 : i32
    %c0_i32_0 = arith.constant 0 : i32
    %c0_i32_1 = arith.constant 0 : i32
    return %c0_i32, %c0_i32_0 : i32, i32
  }
  func.func @transform_5(%arg0: i32) -> (i32, i32) {
    %c0_i32 = arith.constant 0 : i32
    %c0_i32_0 = arith.constant 0 : i32
    return %arg0, %c0_i32 : i32, i32
  }
}

module attributes {stable_mosaic.version = 14 : i64} {
  func.func @_out_body(%arg0: i32, %arg1: memref<1x2000x128xf32, #tpu.memory_space<vmem>>, %arg2: memref<1x2000x128xf32, #tpu.memory_space<vmem>>, %arg3: memref<2000x1xf32, #tpu.memory_space<vmem>>, %arg4: memref<128x128xf32, #tpu.memory_space<vmem>>, %arg5: memref<1x128xf32, #tpu.memory_space<vmem>>, %arg6: memref<2000x128xf32, #tpu.memory_space<vmem>>) attributes {dimension_semantics = [#tpu.dimension_semantics<arbitrary>], iteration_bounds = array<i64: 5>, scalar_prefetch = 0 : i64, scratch_operands = 0 : i64, tpu.core_type = #tpu.core_type<tc>, window_params = [{transform_indices = @transform_0, window_bounds = array<i64: 1, 2000, 128>}, {transform_indices = @transform_1, window_bounds = array<i64: 1, 2000, 128>}, {transform_indices = @transform_2, window_bounds = array<i64: 2000, 1>}, {pipeline_mode = #tpu.pipeline_mode<synchronous>, transform_indices = @transform_3, window_bounds = array<i64: 128, 128>}, {pipeline_mode = #tpu.pipeline_mode<synchronous>, transform_indices = @transform_4, window_bounds = array<i64: 1, 128>}, {transform_indices = @transform_5, window_bounds = array<i64: 2000, 128>}]} {
    %get3A = arith.constant 0 : index
    %get3A_0 = arith.constant 0 : index
    %get3A_1 = arith.constant 0 : index
    %get3A_2 = vector.load %arg1[%get3A, %get3A_0, %get3A_1] : memref<1x2000x128xf32, #tpu.memory_space<vmem>>, vector<1x2000x128xf32>
    %get3A_3 = vector.shape_cast %get3A_2 : vector<1x2000x128xf32> to vector<2000x128xf32>
    %get3A_4 = arith.constant 0 : index
    %get3A_5 = arith.constant 0 : index
    %get3A_6 = arith.constant 0 : index
    %get3A_7 = vector.load %arg2[%get3A_4, %get3A_5, %get3A_6] : memref<1x2000x128xf32, #tpu.memory_space<vmem>>, vector<1x2000x128xf32>
    %get3A_8 = vector.shape_cast %get3A_7 : vector<1x2000x128xf32> to vector<2000x128xf32>
    %add3A = arith.addf %get3A_3, %get3A_8 : vector<2000x128xf32>
    %get3A_9 = arith.constant 0 : index
    %get3A_10 = arith.constant 0 : index
    %get3A_11 = vector.load %arg3[%get3A_9, %get3A_10] : memref<2000x1xf32, #tpu.memory_space<vmem>>, vector<2000x1xf32>
    %mul3A = vector.broadcast %get3A_11 : vector<2000x1xf32> to vector<2000x128xf32>
    %mul3A_12 = arith.mulf %add3A, %mul3A : vector<2000x128xf32>
    %get3A_13 = arith.constant 0 : index
    %get3A_14 = arith.constant 0 : index
    %get3A_15 = vector.load %arg4[%get3A_13, %get3A_14] : memref<128x128xf32, #tpu.memory_space<vmem>>, vector<128x128xf32>
    %dot_general3A = arith.constant dense<0.000000e+00> : vector<2000x128xf32>
    %dot_general3A_16 = tpu.matmul %mul3A_12, %get3A_15, %dot_general3A {dimension_numbers = #tpu.dot_dimension_numbers<[1], [0], [0], [1], [0, 0, 1, 1], [], []>, transpose_lhs_hint = false} : vector<2000x128xf32>, vector<128x128xf32>, vector<2000x128xf32> -> vector<2000x128xf32>
    %get3A_17 = arith.constant 0 : index
    %get3A_18 = arith.constant 0 : index
    %get3A_19 = vector.load %arg5[%get3A_17, %get3A_18] : memref<1x128xf32, #tpu.memory_space<vmem>>, vector<1x128xf32>
    %add3A_20 = vector.broadcast %get3A_19 : vector<1x128xf32> to vector<2000x128xf32>
    %add3A_21 = arith.addf %dot_general3A_16, %add3A_20 : vector<2000x128xf32>
    %swap3A = arith.constant 0 : index
    %swap3A_22 = arith.constant 0 : index
    %swap3A_23 = vector.load %arg6[%swap3A, %swap3A_22] : memref<2000x128xf32, #tpu.memory_space<vmem>>, vector<2000x128xf32>
    tpu.vector_store %arg6[%swap3A, %swap3A_22], %add3A_21 {strides = array<i32>} : memref<2000x128xf32, #tpu.memory_space<vmem>>, vector<2000x128xf32>,
    return
  }
  func.func @transform_0(%arg0: i32) -> (i32, i32, i32) {
    %c0_i32 = arith.constant 0 : i32
    %c0_i32_0 = arith.constant 0 : i32
    %c0_i32_1 = arith.constant 0 : i32
    return %c0_i32, %arg0, %c0_i32_0 : i32, i32, i32
  }
  func.func @transform_1(%arg0: i32) -> (i32, i32, i32) {
    %c1_i32 = arith.constant 1 : i32
    %c0_i32 = arith.constant 0 : i32
    %c0_i32_0 = arith.constant 0 : i32
    return %c1_i32, %arg0, %c0_i32 : i32, i32, i32
  }
  func.func @transform_2(%arg0: i32) -> (i32, i32) {
    %c0_i32 = arith.constant 0 : i32
    %c0_i32_0 = arith.constant 0 : i32
    return %arg0, %c0_i32 : i32, i32
  }
  func.func @transform_3(%arg0: i32) -> (i32, i32) {
    %c0_i32 = arith.constant 0 : i32
    %c0_i32_0 = arith.constant 0 : i32
    %c0_i32_1 = arith.constant 0 : i32
    return %c0_i32, %c0_i32_0 : i32, i32
  }
  func.func @transform_4(%arg0: i32) -> (i32, i32) {
    %c0_i32 = arith.constant 0 : i32
    %c0_i32_0 = arith.constant 0 : i32
    %c0_i32_1 = arith.constant 0 : i32
    return %c0_i32, %c0_i32_0 : i32, i32
  }
  func.func @transform_5(%arg0: i32) -> (i32, i32) {
    %c0_i32 = arith.constant 0 : i32
    %c0_i32_0 = arith.constant 0 : i32
    return %arg0, %c0_i32 : i32, i32
  }
}

</mosaic_0001>

<sc_bundles>
// kernel: kernel.11.cloned.1.call-start
scs
__scs_entry_jumppad:
0x0: {  	(pc) =	sbr.rel $0x88, $3  }
0x1: {  	(tag) =	ssettag $0x0;
	lr =	simm.s32 $0x1  }
0x2: {  	[smem:$0x3F97] =	sst lr;
	_ =	strace $0xD0000000  }
0x3: {  	_ = 	snop  }
0x4: {  	_ = 	snop  }
0x5: {  	_ = 	snop  }
0x6: {  	_ = 	snop  }
0x7: {  	_ = 	snop  }
__scs_overlays_trampoline_lowered:
0x8: {  	[smem:$0x3FA6] =	sst s0  }
0x9: {  	[smem:$0x3FA7] =	sst s1  }
0xa: {  	[smem:$0x3FA8] =	sst s2  }
0xb: {  	[smem:$0x3FA9] =	sst s3  }
0xc: {  	[smem:$0x3FAA] =	sst s4  }
0xd: {  	[smem:$0x3FAB] =	sst s5  }
0xe: {  	[smem:$0x3FAC] =	sst s6  }
0xf: {  	[smem:$0x3FAD] =	sst s7  }
0x10: {  	[smem:$0x3FAE] =	sst s8  }
0x11: {  	[smem:$0x3FAF] =	sst s9;
	s0 =	simm.s32 @!p0 $0x0  }
0x12: {  	s1 =	sld [smem:$0x3F95];
	s0 =	simm.s32 @p0 $0x1  }
0x13: {  	[smem:$0x3FB0] =	sst s0;
	s0 =	simm.s32 @!p1 $0x0  }
0x14: {  	s2 =	sld [smem:$0x3F94];
	s0 =	simm.s32 @p1 $0x1  }
0x15: {  	[smem:$0x3FB1] =	sst s0;
	s0 =	simm.s32 @!p2 $0x0  }
0x16: {  	s3 =	sld [smem:$0x3FDB];
	s0 =	simm.s32 @p2 $0x1  }
0x17: {  	s4 =	simm.s32 $0x1BF5;
	[smem:$0x3FB3] =	sst s0  }
0x18: {  	s0 =	sld [smem:$0x3F96];
	_ =	swait.ge [sflag:s4], $0x0  }
0x19: {  	s7 =	sld [smem:$0x3F97]  }
0x1a: {  	s8 =	sadd.s32 $0xFFFFE003, lr  }
0x1b: {  	s9 =	sadd.s32 $0xFFFFFEF7, lr;
	s5 =	simm.s32 $0xFFFFFFFF;
	p2 =	slt.u32 s8, $0xFFFFF086  }
0x1c: {  	p1 =	slt.u32 s9, $0xF7A;
	s5 =	simm.s32 @!p2 $0x0  }
0x1d: {  	s5 =	simm.s32 @p1 $0x1;
	p0 =	seq.s32 s7, s2  }
0x1e: {  	s7 =	smul.u32 @!p0 $0xF7A, s2;
	p2 =	seq.s32 @!p0 s5, $0x0  }
0x1f: {  	s9 =	smul.u32 $0xF7A, s1;
	s8 =	simm.s32 @!p0 $0x1BF5;
	p2 =	por !p2, p0  }
0x20: {  	[sflag:s8] =	ssyncset.s32 @!p0 $0xFFFFF086;
	s6 =	sadd.s32 @!p0 s3, s7;
	s7 =	simm.s32 @!p0 $0x108  }
0x21: {  	s3 =	sadd.s32 s3, s9;
	s6 =	sadd.s32 @!p0 $0x88, s6;
	s7 =	simm.s32 @p2 $0x1082  }
0x22: {  	[simem:s7], [sflag:s8] =	dma.local @!p0 [hbm:s6], $0xF7A  }
0x23: {  	s9 =	sor.u32 $0xD0000000, s2;
	s6 =	simm.s32 $0x108;
	_ =	swait.ge @!p0 [sflag:s8], $0x0  }
0x24: {  	s3 =	sadd.s32 $0x88, s3;
	s6 =	simm.s32 @!p1 $0x1082;
	[sflag:s4] =	ssyncset.s32 $0xFFFFF086  }
0x25: {  	[simem:s6], [sflag:s4] =	dma.local [hbm:s3], $0xF7A  }
0x26: {  	[smem:$0x3F97] =	sst s1;
	(tag) =	ssettag s2;
	_ =	strace s9  }
0x27: {  	s1 =	sld [smem:$0x3FA7]  }
0x28: {  	s2 =	sld [smem:$0x3FA8]  }
0x29: {  	s4 =	sld [smem:$0x3FAA]  }
0x2a: {  	p0 =	seq.s32 s5, $0x0;
	s5 =	sld [smem:$0x3FAB]  }
0x2b: {  	s6 =	sld [smem:$0x3FAC]  }
0x2c: {  	s7 =	sld [smem:$0x3FAD]  }
0x2d: {  	s3 =	simm.s32 $0x108;
	s8 =	sld [smem:$0x3FAE]  }
0x2e: {  	s3 =	simm.s32 @!p0 $0x1082;
	s9 =	sld [smem:$0x3FAF]  }
0x2f: {  	lr =	sadd.s32 s0, s3;
	s0 =	sld [smem:$0x3FA6]  }
0x30: {  	s3 =	sld [smem:$0x3FA9]  }
0x31: {  	[smem:$0x3FB2] =	sst s10  }
0x32: {  	s10 =	sld [smem:$0x3FB0];
	_ =	sdelay $0x3  }
0x33: {  	p0 =	seq.s32 s10, $0x1;
	s10 =	sld [smem:$0x3FB2];
	_ =	sdelay $0x3  }
0x34: {  	[smem:$0x3FB2] =	sst s10  }
0x35: {  	s10 =	sld [smem:$0x3FB1];
	_ =	sdelay $0x3  }
0x36: {  	p1 =	seq.s32 s10, $0x1;
	s10 =	sld [smem:$0x3FB2];
	_ =	sdelay $0x3  }
0x37: {  	[smem:$0x3FB2] =	sst s10  }
0x38: {  	s10 =	sld [smem:$0x3FB3]  }
0x39: {  	_ = 	snop;
	(pc) =	sbr.ind lr, $3  }
0x3a: {  	_ = 	snop  }
0x3b: {  	_ = 	snop  }
0x3c: {  	p2 =	seq.s32 s10, $0x1;
	s10 =	sld [smem:$0x3FB2]  }
0x3d: {  	_ =	shalt  }
0x3e: {  	_ =	shalt  }
0x3f: {  	_ =	shalt  }
0x40: {  	_ =	shalt  }
0x41: {  	_ =	shalt  }
0x42: {  	_ =	shalt  }
0x43: {  	_ =	shalt  }
0x44: {  	_ =	shalt  }
0x45: {  	_ =	shalt  }
0x46: {  	_ =	shalt  }
0x47: {  	_ =	shalt  }
0x48: {  	_ =	shalt  }
0x49: {  	_ =	shalt  }
0x4a: {  	_ =	shalt  }
0x4b: {  	_ =	shalt  }
0x4c: {  	_ =	shalt  }
0x4d: {  	_ =	shalt  }
0x4e: {  	_ =	shalt  }
0x4f: {  	_ =	shalt  }
0x50: {  	_ =	shalt  }
0x51: {  	_ =	shalt  }
0x52: {  	_ =	shalt  }
0x53: {  	_ =	shalt  }
0x54: {  	_ =	shalt  }
0x55: {  	_ =	shalt  }
0x56: {  	_ =	shalt  }
0x57: {  	_ =	shalt  }
0x58: {  	_ =	shalt  }
0x59: {  	_ =	shalt  }
0x5a: {  	_ =	shalt  }
0x5b: {  	_ =	shalt  }
0x5c: {  	_ =	shalt  }
0x5d: {  	_ =	shalt  }
0x5e: {  	_ =	shalt  }
0x5f: {  	_ =	shalt  }
0x60: {  	_ =	shalt  }
0x61: {  	_ =	shalt  }
0x62: {  	_ =	shalt  }
0x63: {  	_ =	shalt  }
0x64: {  	_ =	shalt  }
0x65: {  	_ =	shalt  }
0x66: {  	_ =	shalt  }
0x67: {  	_ =	shalt  }
0x68: {  	_ =	shalt  }
0x69: {  	_ =	shalt  }
0x6a: {  	_ =	shalt  }
0x6b: {  	_ =	shalt  }
0x6c: {  	_ =	shalt  }
0x6d: {  	_ =	shalt  }
0x6e: {  	_ =	shalt  }
0x6f: {  	_ =	shalt  }
0x70: {  	_ =	shalt  }
0x71: {  	_ =	shalt  }
0x72: {  	_ =	shalt  }
0x73: {  	_ =	shalt  }
0x74: {  	_ =	shalt  }
0x75: {  	_ =	shalt  }
0x76: {  	_ =	shalt  }
0x77: {  	_ =	shalt  }
0x78: {  	_ =	shalt  }
0x79: {  	_ =	shalt  }
0x7a: {  	_ =	shalt  }
0x7b: {  	_ =	shalt  }
0x7c: {  	_ =	shalt  }
0x7d: {  	_ =	shalt  }
0x7e: {  	_ =	shalt  }
0x7f: {  	_ =	shalt  }
0x80: {  	_ =	shalt  }
0x81: {  	_ =	shalt  }
0x82: {  	_ =	shalt  }
0x83: {  	_ =	shalt  }
0x84: {  	_ =	shalt  }
0x85: {  	_ =	shalt  }
0x86: {  	_ =	shalt  }
0x87: {  	_ =	shalt  }
.Lfunc_end0:
.L_simem_size_0:
called_computation.1_lowered:
.L_overlay_start_0:
0x88: {  	s2 =	sld [smem:$0x3FD9]  }
0x89: {  	s3 =	sld [smem:$0x3FFE];
	_ =	sdelay $0x1  }
0x8a: {  	s1 =	srdreg.scid  }
0x8b: {  	s0 =	sand.u32 $0x1, s1  }
0x8c: {  	s17 =	sshll.u32 s0, $0xA;
	s2 =	sadd.s32 s3, s2  }
0x8d: {  	s2 =	sadd.s32 s2, s17  }
0x8e: {  	[smem:$0x3FBE] =	sst s2  }
0x8f: {  	_ = 	snop  }
0x90: {  	s2 =	sld [smem:$0x3FD0];
	(tm) =	ssettm $0x1  }
0x91: {  	s18 =	sld [smem:$0x3FFB];
	_ =	sdelay $0x3  }
0x92: {  	_ =	strace s18  }
0x93: {  	s3 =	sld [smem:$0x3FFC];
	_ =	sdelay $0x3  }
0x94: {  	_ =	strace s3  }
0x95: {  	s3 =	sld [smem:$0x3FFD];
	_ =	sdelay $0x3  }
0x96: {  	_ =	strace s3  }
0x97: {  	_ =	strace $0x8FFFFFFF  }
0x98: {  	s19 =	sld [smem:$0x3FDB];
	_ =	sdelay $0x1  }
0x99: {  	s4 =	simm.s32 $_scs_section_size  }
0x9a: {  	s5 =	simm.s32 $_size__tile_overlayer_lowered;
	s6 =	simm.s32 $_tile_overlayer_lowered  }
0x9b: {  	s22 =	simm.s32 $0x1BFF;
	s21 =	sshll.u32 s6, $0x1;
	s3 =	sadd.s32 s4, s19  }
0x9c: {  	s7 =	simm.s32 $0x0;
	s20 =	sshll.u32 s5, $0x1;
	s5 =	sadd.s32 s21, s3  }
0x9d: {  	[timem:s7], [sflag:s22] =	dma.local [hbm:s5], s20  }
0x9e: {  	_ =	swait.ge [sflag:s22], s20  }
0x9f: {  	s4 =	ssub.s32 $0x0, s20;
	[sflag:s22] =	ssyncset.done $0x0  }
0xa0: {  	[sflag:s22] =	ssyncadd.s32 s4;
	_ =	sdelay $0x1  }
0xa1: {  	s23 =	simm.s32 $0x1B8B  }
0xa2: {  	_ =	swait.ge [sflag:s23], $0x1  }
0xa3: {  	[sflag:s23] =	ssyncset.done $0x0  }
0xa4: {  	s25 =	simm.s32 $0x1B8E;
	s24 =	sld [smem:$0x3FFE];
	[sflag:s23] =	ssyncadd.s32 $0xFFFFFFFF  }
0xa5: {  	s26 =	simm.s32 $execute0_lowered;
	[smem:$0x3FD2] =	sst s25  }
0xa6: {  	s5 =	sshll.u32 s26, $0x1;
	_ =	strace $0x80000049;
	[dreg:$0x1] =	wrdreg $0xFFFFFFFF  }
0xa7: {  	s28 =	simm.s32 $_size_execute0_lowered;
	s3 =	sadd.s32 s3, s5;
	[dreg:$0x0] =	wrdreg $0x0  }
0xa8: {  	s5 =	sshll.u32 s28, $0x1;
	[dreg:$0x2] =	wrdreg s3  }
0xa9: {  	[dreg:$0x3] =	wrdreg s5  }
0xaa: {  	[dreg:$0x4] =	wrdreg $0xC0  }
0xab: {  	_ =	task [dreg:s7], $0x5FFFF  }
0xac: {  	[dreg:$0x1] =	wrdreg $0xFFFFFFFF  }
0xad: {  	[dreg:$0x0] =	wrdreg $0x60  }
0xae: {  	[dreg:$0x2] =	wrdreg s24  }
0xaf: {  	[dreg:$0x3] =	wrdreg s2  }
0xb0: {  	[dreg:$0x4] =	wrdreg $0xA8000  }
0xb1: {  	[dreg:$0x5] =	wrdreg $0x9  }
0xb2: {  	_ =	task.clear_ibuf [dreg:s7], $0x6FFFF;
	_ =	strace $0x90000049  }
0xb3: {  	s29 =	simm.s32 $0x9;
	_ =	strace $0x8000004B  }
0xb4: {  	_ =	swait.ge [sflag:s29], $0x1  }
0xb5: {  	[sflag:s29] =	ssyncadd.s32 $0xFFFFFFFF  }
0xb6: {  	_ =	strace $0x9000004B  }
0xb7: {  	_ =	sfence  }
0xb8: {  	s30 =	sld [smem:$0x0];
	_ =	sdelay $0x2  }
0xb9: {  	s31 =	sshll.u32 s1, $0xD;
	s1 =	sshrl.u32 s1, $0x2  }
0xba: {  	s3 =	sand.u32 $0x4000, s31;
	s1 =	sadd.s32 s1, s30  }
0xbb: {  	s0 =	sor.u32 s3, s0;
	s1 =	sshll.u32 s1, $0x11  }
0xbc: {  	s0 =	sor.u32 s1, s0  }
0xbd: {  	s0 =	sadd.s32 $0x8F2B, s0  }
0xbe: {  	[sflag:s0] =	ssyncadd.remote.s32 $0x1  }
0xbf: {  	_ =	sfence.sel $0xFFFF  }
0xc0: {  	[dreg:$0x0] =	wrdreg $0xFFFFFFFF;
	(pc) =	sbr.abs _section_cstart, $3  }
0xc1: {  	[dreg:$0x1] =	wrdreg $0xFFFFFFFF  }
0xc2: {  	_ =	task.clear_ibuf [dreg:s7], $0x2FFFF;
	_ =	strace $0x9FFFFFFF  }
0xc3: {  	(tm) =	ssettm $0x7FFFFFFF  }
tec
execute0_lowered:
.L_overlay_start_1:
0x0: {  	(tag) =	ssettag $0x1  }
0x1: {  	s5 =	rddreg [dreg:$0x0]  }
0x2: {  	s15 =	rddreg [dreg:$0x1]  }
0x3: {  	s0 =	srdreg.scid;
	s2 =	rddreg [dreg:$0x2]  }
0x4: {  	s1 =	stileid.u32;
	s3 =	simm.s32 $0x0;
	s17 =	simm.s32 $0x1  }
0x5: {  	s18 =	simm.s32 $0x3;
	s19 =	simm.s32 $0x1400;
	s20 =	simm.s32 $0x80  }
0x6: {  	s21 =	simm.s32 $0x6800;
	s22 =	simm.s32 $0x2;
	s23 =	simm.s32 $0x1380  }
0x7: {  	s6 =	sand.u32 $0x1, s0;
	s0 =	rddreg [dreg:$0x3];
	s7 =	smul.u32 $0x14000, s1  }
0x8: {  	s24 =	simm.s32 $0x2780;
	[smem:$0x7FF] =	sst s3;
	s8 =	smul.u32 $0x50000, s1  }
0x9: {  	s14 =	sadd.s32 $0x2A00, s5;
	s10 =	sshll.u32 s1, $0x1;
	s4 =	smul.u32 $0x140000, s6  }
0xa: {  	_ =	strace $0x8000004A;
	s31 =	ssub.s32 $0x2, s6;
	s10 =	sor.u32 s6, s10  }
0xb: {  	s9 =	sshrl.u32 s31, $0x1;
	s8 =	sshrl.u32 s8, $0x2;
	s13 =	smul.u32 $0x500, s10  }
0xc: {  	s7 =	sadd.s32 s7, s4;
	s4 =	sadd.s32 $0xCA00, s5;
	s9 =	ssub.s32 s31, s9  }
0xd: {  	s7 =	sshrl.u32 s7, $0x3;
	s12 =	sadd.s32 s14, s13;
	s16 =	sadd.s32 $0x280, s13  }
0xe: {  	s13 =	sadd.s32 s15, s13;
	s7 =	sadd.s32 s7, s5;
	s5 =	sadd.s32 s8, s2  }
0xf: {  	s14 =	sadd.s32 s14, s16;
	s15 =	sadd.s32 s15, s16;
	s16 =	simm.s32 $0x2800  }
0x10: {  	s6 =	sadd.s32 $0x34A00, s7;
	s7 =	smax.u32 s9, $0x1;
	s8 =	sadd.s32 $0x4000, s5  }
0x11: {  	v0 =	vimm.f32 $0.0e+00;
	s9 =	sadd.s32 $0x8000, s5;
	s10 =	sadd.s32 $0xC000, s5;
	s11 =	sadd.s32 $0x10000, s5  }
.LBB2_1:
0x12: {  	s25 =	simm.s32 $0x0;
	s26 =	simm.s32 $0x200  }
.LBB2_2:
0x13: {  	p0 =	sne.s32 s26, $0xFE00;
	[tilespmem:s25+$0x2870] =	vst v0  }
0x14: {  	[tilespmem:s25+$0x2800] =	vst v0  }
0x15: {  	[tilespmem:s25+$0x2810] =	vst v0  }
.Ltmp0:
0x16: {  	[tilespmem:s25+$0x2820] =	vst v0;
	(pc) =	sbr.rel @p0 .LBB2_2-.Ltmp0, $4  }
0x17: {  	[tilespmem:s25+$0x2830] =	vst v0  }
0x18: {  	[tilespmem:s25+$0x2840] =	vst v0  }
0x19: {  	[tilespmem:s25+$0x2850] =	vst v0  }
0x1a: {  	[tilespmem:s25+$0x2860] =	vst v0;
	s25 =	sshra.s32 s26, $0x2;
	s26 =	sadd.s32 $0x200, s26  }
0x1b: {  	[tilespmem:s25+$0x2870] =	vst v0  }
0x1c: {  	[tilespmem:s25+$0x2800] =	vst v0  }
0x1d: {  	[tilespmem:s25+$0x2810] =	vst v0  }
0x1e: {  	[tilespmem:s25+$0x2820] =	vst v0  }
0x1f: {  	[tilespmem:s25+$0x2830] =	vst v0  }
0x20: {  	[tilespmem:s25+$0x2840] =	vst v0  }
0x21: {  	[tilespmem:s25+$0x2850] =	vst v0  }
0x22: {  	[tilespmem:s25+$0x2860] =	vst v0  }
0x23: {  	[spmem:s5] =	stream.linear.scatter [tilespmem:s16], [sflag:$0x1], $0x4000, $0x38;
	[tilespmem:$0x1E800] =	vst v63  }
0x24: {  	_ = 	snop  }
0x25: {  	[spmem:s8] =	stream.linear.scatter [tilespmem:s16], [sflag:$0x1], $0x4000, $0x38;
	[tilespmem:$0x1E800] =	vst v63  }
0x26: {  	_ = 	snop  }
0x27: {  	[spmem:s9] =	stream.linear.scatter [tilespmem:s16], [sflag:$0x1], $0x4000, $0x38;
	[tilespmem:$0x1E800] =	vst v63  }
0x28: {  	_ = 	snop  }
0x29: {  	[spmem:s10] =	stream.linear.scatter [tilespmem:s16], [sflag:$0x1], $0x4000, $0x38;
	[tilespmem:$0x1E800] =	vst v63  }
0x2a: {  	_ = 	snop  }
0x2b: {  	[spmem:s11] =	stream.linear.scatter [tilespmem:s16], [sflag:$0x1], $0x4000, $0x38;
	[tilespmem:$0x1E800] =	vst v63  }
0x2c: {  	_ =	swait.ge [sflag:s17], $0x4000  }
0x2d: {  	[sflag:s17] =	ssyncset.done $0x0  }
0x2e: {  	[sflag:s17] =	ssyncadd.s32 $0xFFFFC000  }
0x2f: {  	_ =	swait.ge [sflag:s17], $0x4000  }
0x30: {  	[sflag:s17] =	ssyncset.done $0x0  }
0x31: {  	[sflag:s17] =	ssyncadd.s32 $0xFFFFC000  }
0x32: {  	_ =	swait.ge [sflag:s17], $0x4000  }
0x33: {  	[sflag:s17] =	ssyncset.done $0x0  }
0x34: {  	[sflag:s17] =	ssyncadd.s32 $0xFFFFC000  }
0x35: {  	_ =	swait.ge [sflag:s17], $0x4000  }
0x36: {  	[sflag:s17] =	ssyncset.done $0x0  }
0x37: {  	[sflag:s17] =	ssyncadd.s32 $0xFFFFC000  }
0x38: {  	_ =	swait.ge [sflag:s17], $0x4000  }
0x39: {  	[sflag:s17] =	ssyncset.done $0x0  }
0x3a: {  	[sflag:s17] =	ssyncadd.s32 $0xFFFFC000  }
0x3b: {  	s28 =	simm.s32 $0x0;
	[bflag:$0x0] =	sbarrier.arrive $0xFFFF  }
0x3c: {  	[tilespmem:s28], [sflag:$0x3] =	stream.linear.gather [hbm4b:s12+s28], $0x1400, $0x38;
	[tilespmem:$0x1E800] =	vst v63  }
0x3d: {  	_ =	swait.ge [sflag:s18], $0x1400  }
0x3e: {  	[sflag:s18] =	ssyncset.done $0x0  }
0x3f: {  	[sflag:s18] =	ssyncadd.s32 $0xFFFFEC00  }
0x40: {  	[tilespmem:s19], [sflag:$0x3] =	stream.linear.gather [hbm4b:s13+s28], $0x1400, $0x38;
	[tilespmem:$0x1E800] =	vst v63  }
0x41: {  	_ =	swait.ge [sflag:s18], $0x1400  }
0x42: {  	[sflag:s18] =	ssyncset.done $0x0  }
0x43: {  	[sflag:s18] =	ssyncadd.s32 $0xFFFFEC00  }
0x44: {  	[tilespmem:s16], [sflag:$0x1] =	stream.indirect.gather [hbm4b:s4+s20], $0x80, s19, s20, $0xb8;
	[tilespmem:$0x1E800] =	vst v63  }
0x45: {  	_ = 	snop  }
0x46: {  	[tilespmem:s21], [sflag:$0x2] =	stream.indirect.gather [hbm4b:s4+s20], $0x80, s28, s20, $0xb8;
	[tilespmem:$0x1E800] =	vst v63  }
0x47: {  	_ =	swait.ge [sflag:s17], $0x4000  }
0x48: {  	[sflag:s17] =	ssyncset.done $0x0  }
0x49: {  	s29 =	simm.s32 $0x0;
	[sflag:s17] =	ssyncadd.s32 $0xFFFFC000  }
0x4a: {  	[spmem:s2] =	stream.indirect.scatter.add.f32 [tilespmem:s16], [sflag:$0x3], $0x80, s29, s20, $0xb8;
	[tilespmem:$0x1E800] =	vst v63  }
0x4b: {  	_ =	swait.ge [sflag:s18], $0x4000  }
0x4c: {  	[sflag:s18] =	ssyncset.done $0x0  }
0x4d: {  	s30 =	simm.s32 $0x1480;
	[sflag:s18] =	ssyncadd.s32 $0xFFFFC000  }
0x4e: {  	[tilespmem:s16], [sflag:$0x1] =	stream.indirect.gather [hbm4b:s4+s20], $0x80, s30, s20, $0xb8;
	[tilespmem:$0x1E800] =	vst v63  }
0x4f: {  	_ =	swait.ge [sflag:s22], $0x4000  }
0x50: {  	[sflag:s22] =	ssyncset.done $0x0  }
0x51: {  	s31 =	simm.s32 $0x1400;
	[sflag:s22] =	ssyncadd.s32 $0xFFFFC000  }
0x52: {  	[spmem:s2] =	stream.indirect.scatter.add.f32 [tilespmem:s21], [sflag:$0x3], $0x80, s31, s20, $0xb8;
	[tilespmem:$0x1E800] =	vst v63  }
0x53: {  	_ =	swait.ge [sflag:s18], $0x4000  }
0x54: {  	[sflag:s18] =	ssyncset.done $0x0  }
0x55: {  	s25 =	simm.s32 $0x200;
	s26 =	simm.s32 $0x80;
	[sflag:s18] =	ssyncadd.s32 $0xFFFFC000  }
.LBB2_4:
0x56: {  	[tilespmem:s21], [sflag:$0x2] =	stream.indirect.gather [hbm4b:s4+s20], $0x80, s26, s20, $0xb8;
	[tilespmem:$0x1E800] =	vst v63  }
0x57: {  	s26 =	smov.u32 s25  }
0x58: {  	p0 =	sne.s32 s25, $0x4C00;
	s25 =	sadd.s32 $0x200, s25;
	_ =	swait.ge [sflag:s17], $0x4000  }
0x59: {  	[sflag:s17] =	ssyncset.done $0x0  }
0x5a: {  	s26 =	sshra.s32 s26, $0x2;
	[sflag:s17] =	ssyncadd.s32 $0xFFFFC000  }
0x5b: {  	[spmem:s2] =	stream.indirect.scatter.add.f32 [tilespmem:s16], [sflag:$0x3], $0x80, s26, s20, $0xb8;
	[tilespmem:$0x1E800] =	vst v63  }
0x5c: {  	_ =	swait.ge [sflag:s18], $0x4000  }
0x5d: {  	[sflag:s18] =	ssyncset.done $0x0  }
0x5e: {  	s28 =	sadd.s32 $0x1480, s26;
	[sflag:s18] =	ssyncadd.s32 $0xFFFFC000  }
0x5f: {  	[tilespmem:s16], [sflag:$0x1] =	stream.indirect.gather [hbm4b:s4+s20], $0x80, s28, s20, $0xb8;
	[tilespmem:$0x1E800] =	vst v63  }
0x60: {  	_ =	swait.ge [sflag:s22], $0x4000  }
0x61: {  	[sflag:s22] =	ssyncset.done $0x0  }
.Ltmp1:
0x62: {  	s28 =	sadd.s32 $0x1400, s26;
	[sflag:s22] =	ssyncadd.s32 $0xFFFFC000;
	(pc) =	sbr.rel @p0 .LBB2_4-.Ltmp1, $4  }
0x63: {  	[spmem:s2] =	stream.indirect.scatter.add.f32 [tilespmem:s21], [sflag:$0x3], $0x80, s28, s20, $0xb8;
	[tilespmem:$0x1E800] =	vst v63  }
0x64: {  	_ =	swait.ge [sflag:s18], $0x4000  }
0x65: {  	[sflag:s18] =	ssyncset.done $0x0  }
0x66: {  	s26 =	sadd.s32 $0x80, s26;
	[sflag:s18] =	ssyncadd.s32 $0xFFFFC000  }
0x67: {  	[tilespmem:s21], [sflag:$0x2] =	stream.indirect.gather [hbm4b:s4+s20], $0x80, s26, s20, $0xb8;
	[tilespmem:$0x1E800] =	vst v63  }
0x68: {  	_ =	swait.ge [sflag:s17], $0x4000  }
0x69: {  	[sflag:s17] =	ssyncset.done $0x0  }
0x6a: {  	[sflag:s17] =	ssyncadd.s32 $0xFFFFC000  }
0x6b: {  	[spmem:s2] =	stream.indirect.scatter.add.f32 [tilespmem:s16], [sflag:$0x3], $0x80, s23, s20, $0xb8;
	[tilespmem:$0x1E800] =	vst v63  }
0x6c: {  	_ =	swait.ge [sflag:s18], $0x4000  }
0x6d: {  	[sflag:s18] =	ssyncset.done $0x0  }
0x6e: {  	[sflag:s18] =	ssyncadd.s32 $0xFFFFC000  }
0x6f: {  	_ =	swait.ge [sflag:s22], $0x4000  }
0x70: {  	[sflag:s22] =	ssyncset.done $0x0  }
0x71: {  	[sflag:s22] =	ssyncadd.s32 $0xFFFFC000  }
0x72: {  	[spmem:s2] =	stream.indirect.scatter.add.f32 [tilespmem:s21], [sflag:$0x3], $0x80, s24, s20, $0xb8;
	[tilespmem:$0x1E800] =	vst v63  }
0x73: {  	_ =	swait.ge [sflag:s18], $0x4000  }
0x74: {  	[sflag:s18] =	ssyncset.done $0x0  }
0x75: {  	s25 =	simm.s32 $0x0;
	[sflag:s18] =	ssyncadd.s32 $0xFFFFC000  }
0x76: {  	[tilespmem:s25], [sflag:$0x3] =	stream.linear.gather [hbm4b:s14+s25], $0x1400, $0x38;
	[tilespmem:$0x1E800] =	vst v63  }
0x77: {  	_ =	swait.ge [sflag:s18], $0x1400  }
0x78: {  	[sflag:s18] =	ssyncset.done $0x0  }
0x79: {  	[sflag:s18] =	ssyncadd.s32 $0xFFFFEC00  }
0x7a: {  	[tilespmem:s19], [sflag:$0x3] =	stream.linear.gather [hbm4b:s15+s25], $0x1400, $0x38;
	[tilespmem:$0x1E800] =	vst v63  }
0x7b: {  	_ =	swait.ge [sflag:s18], $0x1400  }
0x7c: {  	[sflag:s18] =	ssyncset.done $0x0  }
0x7d: {  	[sflag:s18] =	ssyncadd.s32 $0xFFFFEC00  }
0x7e: {  	[tilespmem:s16], [sflag:$0x1] =	stream.indirect.gather [hbm4b:s4+s20], $0x80, s19, s20, $0xb8;
	[tilespmem:$0x1E800] =	vst v63  }
0x7f: {  	_ = 	snop  }
0x80: {  	[tilespmem:s21], [sflag:$0x2] =	stream.indirect.gather [hbm4b:s4+s20], $0x80, s25, s20, $0xb8;
	[tilespmem:$0x1E800] =	vst v63  }
0x81: {  	_ =	swait.ge [sflag:s17], $0x4000  }
0x82: {  	[sflag:s17] =	ssyncset.done $0x0  }
0x83: {  	s29 =	simm.s32 $0x0;
	[sflag:s17] =	ssyncadd.s32 $0xFFFFC000  }
0x84: {  	[spmem:s2] =	stream.indirect.scatter.add.f32 [tilespmem:s16], [sflag:$0x3], $0x80, s29, s20, $0xb8;
	[tilespmem:$0x1E800] =	vst v63  }
0x85: {  	_ =	swait.ge [sflag:s18], $0x4000  }
0x86: {  	[sflag:s18] =	ssyncset.done $0x0  }
0x87: {  	s30 =	simm.s32 $0x1480;
	[sflag:s18] =	ssyncadd.s32 $0xFFFFC000  }
0x88: {  	[tilespmem:s16], [sflag:$0x1] =	stream.indirect.gather [hbm4b:s4+s20], $0x80, s30, s20, $0xb8;
	[tilespmem:$0x1E800] =	vst v63  }
0x89: {  	_ =	swait.ge [sflag:s22], $0x4000  }
0x8a: {  	[sflag:s22] =	ssyncset.done $0x0  }
0x8b: {  	s31 =	simm.s32 $0x1400;
	[sflag:s22] =	ssyncadd.s32 $0xFFFFC000  }
0x8c: {  	[spmem:s2] =	stream.indirect.scatter.add.f32 [tilespmem:s21], [sflag:$0x3], $0x80, s31, s20, $0xb8;
	[tilespmem:$0x1E800] =	vst v63  }
0x8d: {  	_ =	swait.ge [sflag:s18], $0x4000  }
0x8e: {  	[sflag:s18] =	ssyncset.done $0x0  }
0x8f: {  	s26 =	simm.s32 $0x80;
	s25 =	simm.s32 $0x200;
	[sflag:s18] =	ssyncadd.s32 $0xFFFFC000  }
.LBB2_6:
0x90: {  	[tilespmem:s21], [sflag:$0x2] =	stream.indirect.gather [hbm4b:s4+s20], $0x80, s26, s20, $0xb8;
	[tilespmem:$0x1E800] =	vst v63  }
0x91: {  	s26 =	smov.u32 s25  }
0x92: {  	p0 =	sne.s32 s25, $0x4C00;
	s25 =	sadd.s32 $0x200, s25;
	_ =	swait.ge [sflag:s17], $0x4000  }
0x93: {  	[sflag:s17] =	ssyncset.done $0x0  }
0x94: {  	s26 =	sshra.s32 s26, $0x2;
	[sflag:s17] =	ssyncadd.s32 $0xFFFFC000  }
0x95: {  	[spmem:s2] =	stream.indirect.scatter.add.f32 [tilespmem:s16], [sflag:$0x3], $0x80, s26, s20, $0xb8;
	[tilespmem:$0x1E800] =	vst v63  }
0x96: {  	_ =	swait.ge [sflag:s18], $0x4000  }
0x97: {  	[sflag:s18] =	ssyncset.done $0x0  }
0x98: {  	s28 =	sadd.s32 $0x1480, s26;
	[sflag:s18] =	ssyncadd.s32 $0xFFFFC000  }
0x99: {  	[tilespmem:s16], [sflag:$0x1] =	stream.indirect.gather [hbm4b:s4+s20], $0x80, s28, s20, $0xb8;
	[tilespmem:$0x1E800] =	vst v63  }
0x9a: {  	_ =	swait.ge [sflag:s22], $0x4000  }
0x9b: {  	[sflag:s22] =	ssyncset.done $0x0  }
.Ltmp2:
0x9c: {  	s28 =	sadd.s32 $0x1400, s26;
	[sflag:s22] =	ssyncadd.s32 $0xFFFFC000;
	(pc) =	sbr.rel @p0 .LBB2_6-.Ltmp2, $4  }
0x9d: {  	[spmem:s2] =	stream.indirect.scatter.add.f32 [tilespmem:s21], [sflag:$0x3], $0x80, s28, s20, $0xb8;
	[tilespmem:$0x1E800] =	vst v63  }
0x9e: {  	_ =	swait.ge [sflag:s18], $0x4000  }
0x9f: {  	[sflag:s18] =	ssyncset.done $0x0  }
0xa0: {  	s26 =	sadd.s32 $0x80, s26;
	[sflag:s18] =	ssyncadd.s32 $0xFFFFC000  }
0xa1: {  	[tilespmem:s21], [sflag:$0x2] =	stream.indirect.gather [hbm4b:s4+s20], $0x80, s26, s20, $0xb8;
	[tilespmem:$0x1E800] =	vst v63  }
0xa2: {  	_ =	swait.ge [sflag:s17], $0x4000  }
0xa3: {  	[sflag:s17] =	ssyncset.done $0x0  }
0xa4: {  	[sflag:s17] =	ssyncadd.s32 $0xFFFFC000  }
0xa5: {  	[spmem:s2] =	stream.indirect.scatter.add.f32 [tilespmem:s16], [sflag:$0x3], $0x80, s23, s20, $0xb8;
	[tilespmem:$0x1E800] =	vst v63  }
0xa6: {  	_ =	swait.ge [sflag:s18], $0x4000  }
0xa7: {  	[sflag:s18] =	ssyncset.done $0x0  }
0xa8: {  	[sflag:s18] =	ssyncadd.s32 $0xFFFFC000  }
0xa9: {  	_ =	swait.ge [sflag:s22], $0x4000  }
0xaa: {  	[sflag:s22] =	ssyncset.done $0x0  }
0xab: {  	[sflag:s22] =	ssyncadd.s32 $0xFFFFC000  }
0xac: {  	[spmem:s2] =	stream.indirect.scatter.add.f32 [tilespmem:s21], [sflag:$0x3], $0x80, s24, s20, $0xb8;
	[tilespmem:$0x1E800] =	vst v63  }
0xad: {  	_ =	swait.ge [sflag:s18], $0x4000  }
0xae: {  	s25 =	sshll.u32 s1, $0x6;
	s3 =	sadd.s32 $0x1, s3;
	[sflag:s18] =	ssyncset.done $0x0  }
0xaf: {  	s31 =	sshrl.u32 s5, $0x3;
	p0 =	sne.s32 s3, s7;
	[sflag:s18] =	ssyncadd.s32 $0xFFFFC000  }
.Ltmp3:
0xb0: {  	s25 =	sor.u32 $0x1C03, s25;
	[bflag:$0x0] =	sbarrier.arrive $0xFFFF;
	(pc) =	sbr.rel @p0 .LBB2_1-.Ltmp3, $4  }
0xb1: {  	[hbm:s6], [sflag:s25] =	dma.local [spmem:s31], $0x2800  }
0xb2: {  	_ =	swait.ge [sflag:s18], $0x2800  }
0xb3: {  	[sflag:s18] =	ssyncset.done $0x0  }
0xb4: {  	[sflag:s18] =	ssyncadd.s32 $0xFFFFD800  }
0xb5: {  	_ =	sfence.sel $0x180000  }
0xb6: {  	[bflag:$0x0] =	sbarrier.arrive $0xFFFF  }
0xb7: {  	p0 =	sne.s32 s1, $0x0;
	_ =	strace $0x9000004A  }
0xb8: {  	s0 =	sadd.s32 @!p0 $0x100000, s0;
	[bflag:$0x2] =	sbarrier.arrive $0xFFFF  }
0xb9: {  	[sflag:s0] =	ssyncadd.tile.s32 @!p0 $0x1;
	_ =	shalt  }
.Lfunc_end2:
_tile_overlayer_lowered:
.L_overlay_start_2:
0xba: {  	(tag) =	ssettag $0x2  }
0xbb: {  	s0 =	rddreg [dreg:$0x0];
	s2 =	stileid.u32  }
0xbc: {  	s1 =	rddreg [dreg:$0x1];
	p0 =	sne.s32 s2, $0x0  }
0xbd: {  	s3 =	rddreg [dreg:$0x2];
	[bflag:$0x3] =	sbarrier.arrive $0xFFFF;
	s2 =	simm.s32 @!p0 $0x1C03  }
0xbe: {  	[timem:s3], [sflag:s2] =	dma.local @!p0 [hbm:s0], s1  }
0xbf: {  	s0 =	simm.s32 @!p0 $0x3  }
0xc0: {  	_ =	swait.ge @!p0 [sflag:s0], s1  }
0xc1: {  	s1 =	ssub.s32 @!p0 $0x0, s1;
	[sflag:s0] =	ssyncset.done @!p0 $0x0  }
0xc2: {  	[sflag:s0] =	ssyncadd.s32 @!p0 s1  }
0xc3: {  	[bflag:$0x3] =	sbarrier.arrive $0xFFFF  }
0xc4: {  	_ =	shalt  }

// kernel: kernel.14.cloned.1.call-start
scs
__scs_entry_jumppad:
0x0: {  	(pc) =	sbr.rel $0x88, $3  }
0x1: {  	(tag) =	ssettag $0x0;
	lr =	simm.s32 $0x1  }
0x2: {  	[smem:$0x3F97] =	sst lr;
	_ =	strace $0xD0000000  }
0x3: {  	_ = 	snop  }
0x4: {  	_ = 	snop  }
0x5: {  	_ = 	snop  }
0x6: {  	_ = 	snop  }
0x7: {  	_ = 	snop  }
__scs_overlays_trampoline_lowered:
0x8: {  	[smem:$0x3FA6] =	sst s0  }
0x9: {  	[smem:$0x3FA7] =	sst s1  }
0xa: {  	[smem:$0x3FA8] =	sst s2  }
0xb: {  	[smem:$0x3FA9] =	sst s3  }
0xc: {  	[smem:$0x3FAA] =	sst s4  }
0xd: {  	[smem:$0x3FAB] =	sst s5  }
0xe: {  	[smem:$0x3FAC] =	sst s6  }
0xf: {  	[smem:$0x3FAD] =	sst s7  }
0x10: {  	[smem:$0x3FAE] =	sst s8  }
0x11: {  	[smem:$0x3FAF] =	sst s9;
	s0 =	simm.s32 @!p0 $0x0  }
0x12: {  	s1 =	sld [smem:$0x3F95];
	s0 =	simm.s32 @p0 $0x1  }
0x13: {  	[smem:$0x3FB0] =	sst s0;
	s0 =	simm.s32 @!p1 $0x0  }
0x14: {  	s2 =	sld [smem:$0x3F94];
	s0 =	simm.s32 @p1 $0x1  }
0x15: {  	[smem:$0x3FB1] =	sst s0;
	s0 =	simm.s32 @!p2 $0x0  }
0x16: {  	s3 =	sld [smem:$0x3FDB];
	s0 =	simm.s32 @p2 $0x1  }
0x17: {  	s4 =	simm.s32 $0x1BF5;
	[smem:$0x3FB3] =	sst s0  }
0x18: {  	s0 =	sld [smem:$0x3F96];
	_ =	swait.ge [sflag:s4], $0x0  }
0x19: {  	s7 =	sld [smem:$0x3F97]  }
0x1a: {  	s8 =	sadd.s32 $0xFFFFE003, lr  }
0x1b: {  	s9 =	sadd.s32 $0xFFFFFEF7, lr;
	s5 =	simm.s32 $0xFFFFFFFF;
	p2 =	slt.u32 s8, $0xFFFFF086  }
0x1c: {  	p1 =	slt.u32 s9, $0xF7A;
	s5 =	simm.s32 @!p2 $0x0  }
0x1d: {  	s5 =	simm.s32 @p1 $0x1;
	p0 =	seq.s32 s7, s2  }
0x1e: {  	s7 =	smul.u32 @!p0 $0xF7A, s2;
	p2 =	seq.s32 @!p0 s5, $0x0  }
0x1f: {  	s9 =	smul.u32 $0xF7A, s1;
	s8 =	simm.s32 @!p0 $0x1BF5;
	p2 =	por !p2, p0  }
0x20: {  	[sflag:s8] =	ssyncset.s32 @!p0 $0xFFFFF086;
	s6 =	sadd.s32 @!p0 s3, s7;
	s7 =	simm.s32 @!p0 $0x108  }
0x21: {  	s3 =	sadd.s32 s3, s9;
	s6 =	sadd.s32 @!p0 $0x88, s6;
	s7 =	simm.s32 @p2 $0x1082  }
0x22: {  	[simem:s7], [sflag:s8] =	dma.local @!p0 [hbm:s6], $0xF7A  }
0x23: {  	s9 =	sor.u32 $0xD0000000, s2;
	s6 =	simm.s32 $0x108;
	_ =	swait.ge @!p0 [sflag:s8], $0x0  }
0x24: {  	s3 =	sadd.s32 $0x88, s3;
	s6 =	simm.s32 @!p1 $0x1082;
	[sflag:s4] =	ssyncset.s32 $0xFFFFF086  }
0x25: {  	[simem:s6], [sflag:s4] =	dma.local [hbm:s3], $0xF7A  }
0x26: {  	[smem:$0x3F97] =	sst s1;
	(tag) =	ssettag s2;
	_ =	strace s9  }
0x27: {  	s1 =	sld [smem:$0x3FA7]  }
0x28: {  	s2 =	sld [smem:$0x3FA8]  }
0x29: {  	s4 =	sld [smem:$0x3FAA]  }
0x2a: {  	p0 =	seq.s32 s5, $0x0;
	s5 =	sld [smem:$0x3FAB]  }
0x2b: {  	s6 =	sld [smem:$0x3FAC]  }
0x2c: {  	s7 =	sld [smem:$0x3FAD]  }
0x2d: {  	s3 =	simm.s32 $0x108;
	s8 =	sld [smem:$0x3FAE]  }
0x2e: {  	s3 =	simm.s32 @!p0 $0x1082;
	s9 =	sld [smem:$0x3FAF]  }
0x2f: {  	lr =	sadd.s32 s0, s3;
	s0 =	sld [smem:$0x3FA6]  }
0x30: {  	s3 =	sld [smem:$0x3FA9]  }
0x31: {  	[smem:$0x3FB2] =	sst s10  }
0x32: {  	s10 =	sld [smem:$0x3FB0];
	_ =	sdelay $0x3  }
0x33: {  	p0 =	seq.s32 s10, $0x1;
	s10 =	sld [smem:$0x3FB2];
	_ =	sdelay $0x3  }
0x34: {  	[smem:$0x3FB2] =	sst s10  }
0x35: {  	s10 =	sld [smem:$0x3FB1];
	_ =	sdelay $0x3  }
0x36: {  	p1 =	seq.s32 s10, $0x1;
	s10 =	sld [smem:$0x3FB2];
	_ =	sdelay $0x3  }
0x37: {  	[smem:$0x3FB2] =	sst s10  }
0x38: {  	s10 =	sld [smem:$0x3FB3]  }
0x39: {  	_ = 	snop;
	(pc) =	sbr.ind lr, $3  }
0x3a: {  	_ = 	snop  }
0x3b: {  	_ = 	snop  }
0x3c: {  	p2 =	seq.s32 s10, $0x1;
	s10 =	sld [smem:$0x3FB2]  }
0x3d: {  	_ =	shalt  }
0x3e: {  	_ =	shalt  }
0x3f: {  	_ =	shalt  }
0x40: {  	_ =	shalt  }
0x41: {  	_ =	shalt  }
0x42: {  	_ =	shalt  }
0x43: {  	_ =	shalt  }
0x44: {  	_ =	shalt  }
0x45: {  	_ =	shalt  }
0x46: {  	_ =	shalt  }
0x47: {  	_ =	shalt  }
0x48: {  	_ =	shalt  }
0x49: {  	_ =	shalt  }
0x4a: {  	_ =	shalt  }
0x4b: {  	_ =	shalt  }
0x4c: {  	_ =	shalt  }
0x4d: {  	_ =	shalt  }
0x4e: {  	_ =	shalt  }
0x4f: {  	_ =	shalt  }
0x50: {  	_ =	shalt  }
0x51: {  	_ =	shalt  }
0x52: {  	_ =	shalt  }
0x53: {  	_ =	shalt  }
0x54: {  	_ =	shalt  }
0x55: {  	_ =	shalt  }
0x56: {  	_ =	shalt  }
0x57: {  	_ =	shalt  }
0x58: {  	_ =	shalt  }
0x59: {  	_ =	shalt  }
0x5a: {  	_ =	shalt  }
0x5b: {  	_ =	shalt  }
0x5c: {  	_ =	shalt  }
0x5d: {  	_ =	shalt  }
0x5e: {  	_ =	shalt  }
0x5f: {  	_ =	shalt  }
0x60: {  	_ =	shalt  }
0x61: {  	_ =	shalt  }
0x62: {  	_ =	shalt  }
0x63: {  	_ =	shalt  }
0x64: {  	_ =	shalt  }
0x65: {  	_ =	shalt  }
0x66: {  	_ =	shalt  }
0x67: {  	_ =	shalt  }
0x68: {  	_ =	shalt  }
0x69: {  	_ =	shalt  }
0x6a: {  	_ =	shalt  }
0x6b: {  	_ =	shalt  }
0x6c: {  	_ =	shalt  }
0x6d: {  	_ =	shalt  }
0x6e: {  	_ =	shalt  }
0x6f: {  	_ =	shalt  }
0x70: {  	_ =	shalt  }
0x71: {  	_ =	shalt  }
0x72: {  	_ =	shalt  }
0x73: {  	_ =	shalt  }
0x74: {  	_ =	shalt  }
0x75: {  	_ =	shalt  }
0x76: {  	_ =	shalt  }
0x77: {  	_ =	shalt  }
0x78: {  	_ =	shalt  }
0x79: {  	_ =	shalt  }
0x7a: {  	_ =	shalt  }
0x7b: {  	_ =	shalt  }
0x7c: {  	_ =	shalt  }
0x7d: {  	_ =	shalt  }
0x7e: {  	_ =	shalt  }
0x7f: {  	_ =	shalt  }
0x80: {  	_ =	shalt  }
0x81: {  	_ =	shalt  }
0x82: {  	_ =	shalt  }
0x83: {  	_ =	shalt  }
0x84: {  	_ =	shalt  }
0x85: {  	_ =	shalt  }
0x86: {  	_ =	shalt  }
0x87: {  	_ =	shalt  }
.Lfunc_end0:
.L_simem_size_0:
called_computation.2_lowered:
.L_overlay_start_0:
0x88: {  	s2 =	sld [smem:$0x3FD9]  }
0x89: {  	s3 =	sld [smem:$0x3FFE];
	_ =	sdelay $0x1  }
0x8a: {  	s1 =	srdreg.scid  }
0x8b: {  	s0 =	sand.u32 $0x1, s1  }
0x8c: {  	s17 =	sshll.u32 s0, $0xA;
	s2 =	sadd.s32 s3, s2  }
0x8d: {  	s2 =	sadd.s32 s2, s17  }
0x8e: {  	[smem:$0x3FBE] =	sst s2  }
0x8f: {  	_ = 	snop  }
0x90: {  	s2 =	sld [smem:$0x3FD0];
	(tm) =	ssettm $0x1  }
0x91: {  	s18 =	sld [smem:$0x3FFB];
	_ =	sdelay $0x3  }
0x92: {  	_ =	strace s18  }
0x93: {  	s3 =	sld [smem:$0x3FFC];
	_ =	sdelay $0x3  }
0x94: {  	_ =	strace s3  }
0x95: {  	s3 =	sld [smem:$0x3FFD];
	_ =	sdelay $0x3  }
0x96: {  	_ =	strace s3  }
0x97: {  	_ =	strace $0x8FFFFFFF  }
0x98: {  	s19 =	sld [smem:$0x3FDB];
	_ =	sdelay $0x1  }
0x99: {  	s4 =	simm.s32 $_scs_section_size  }
0x9a: {  	s5 =	simm.s32 $_size__tile_overlayer_lowered;
	s6 =	simm.s32 $_tile_overlayer_lowered  }
0x9b: {  	s22 =	simm.s32 $0x1BFF;
	s21 =	sshll.u32 s6, $0x1;
	s3 =	sadd.s32 s4, s19  }
0x9c: {  	s7 =	simm.s32 $0x0;
	s20 =	sshll.u32 s5, $0x1;
	s5 =	sadd.s32 s21, s3  }
0x9d: {  	[timem:s7], [sflag:s22] =	dma.local [hbm:s5], s20  }
0x9e: {  	_ =	swait.ge [sflag:s22], s20  }
0x9f: {  	s4 =	ssub.s32 $0x0, s20;
	[sflag:s22] =	ssyncset.done $0x0  }
0xa0: {  	[sflag:s22] =	ssyncadd.s32 s4;
	_ =	sdelay $0x1  }
0xa1: {  	s23 =	simm.s32 $0x1B8B  }
0xa2: {  	_ =	swait.ge [sflag:s23], $0x1  }
0xa3: {  	[sflag:s23] =	ssyncset.done $0x0  }
0xa4: {  	s25 =	simm.s32 $0x1B8E;
	s24 =	sld [smem:$0x3FFE];
	[sflag:s23] =	ssyncadd.s32 $0xFFFFFFFF  }
0xa5: {  	s26 =	simm.s32 $execute0_lowered;
	[smem:$0x3FD2] =	sst s25  }
0xa6: {  	s5 =	sshll.u32 s26, $0x1;
	_ =	strace $0x8000004C;
	[dreg:$0x1] =	wrdreg $0xFFFFFFFF  }
0xa7: {  	s28 =	simm.s32 $_size_execute0_lowered;
	s3 =	sadd.s32 s3, s5;
	[dreg:$0x0] =	wrdreg $0x0  }
0xa8: {  	s5 =	sshll.u32 s28, $0x1;
	[dreg:$0x2] =	wrdreg s3  }
0xa9: {  	[dreg:$0x3] =	wrdreg s5  }
0xaa: {  	[dreg:$0x4] =	wrdreg $0xC0  }
0xab: {  	_ =	task [dreg:s7], $0x5FFFF  }
0xac: {  	[dreg:$0x1] =	wrdreg $0xFFFFFFFF  }
0xad: {  	[dreg:$0x0] =	wrdreg $0x60  }
0xae: {  	[dreg:$0x2] =	wrdreg s24  }
0xaf: {  	[dreg:$0x3] =	wrdreg s2  }
0xb0: {  	[dreg:$0x4] =	wrdreg $0xA8000  }
0xb1: {  	[dreg:$0x5] =	wrdreg $0x9  }
0xb2: {  	_ =	task.clear_ibuf [dreg:s7], $0x6FFFF;
	_ =	strace $0x9000004C  }
0xb3: {  	s29 =	simm.s32 $0x9;
	_ =	strace $0x8000004E  }
0xb4: {  	_ =	swait.ge [sflag:s29], $0x1  }
0xb5: {  	[sflag:s29] =	ssyncadd.s32 $0xFFFFFFFF  }
0xb6: {  	_ =	strace $0x9000004E  }
0xb7: {  	_ =	sfence  }
0xb8: {  	s30 =	sld [smem:$0x0];
	_ =	sdelay $0x2  }
0xb9: {  	s31 =	sshll.u32 s1, $0xD;
	s1 =	sshrl.u32 s1, $0x2  }
0xba: {  	s3 =	sand.u32 $0x4000, s31;
	s1 =	sadd.s32 s1, s30  }
0xbb: {  	s0 =	sor.u32 s3, s0;
	s1 =	sshll.u32 s1, $0x11  }
0xbc: {  	s0 =	sor.u32 s1, s0  }
0xbd: {  	s0 =	sadd.s32 $0x8F2B, s0  }
0xbe: {  	[sflag:s0] =	ssyncadd.remote.s32 $0x1  }
0xbf: {  	_ =	sfence.sel $0xFFFF  }
0xc0: {  	[dreg:$0x0] =	wrdreg $0xFFFFFFFF;
	(pc) =	sbr.abs _section_cstart, $3  }
0xc1: {  	[dreg:$0x1] =	wrdreg $0xFFFFFFFF  }
0xc2: {  	_ =	task.clear_ibuf [dreg:s7], $0x2FFFF;
	_ =	strace $0x9FFFFFFF  }
0xc3: {  	(tm) =	ssettm $0x7FFFFFFF  }
tec
execute0_lowered:
.L_overlay_start_1:
0x0: {  	(tag) =	ssettag $0x1  }
0x1: {  	s5 =	rddreg [dreg:$0x0]  }
0x2: {  	s15 =	rddreg [dreg:$0x1]  }
0x3: {  	s0 =	srdreg.scid;
	s2 =	rddreg [dreg:$0x2]  }
0x4: {  	s1 =	stileid.u32;
	s3 =	simm.s32 $0x0;
	s17 =	simm.s32 $0x1  }
0x5: {  	s18 =	simm.s32 $0x3;
	s19 =	simm.s32 $0x1400;
	s20 =	simm.s32 $0x80  }
0x6: {  	s21 =	simm.s32 $0x6800;
	s22 =	simm.s32 $0x2;
	s23 =	simm.s32 $0x1380  }
0x7: {  	s6 =	sand.u32 $0x1, s0;
	s0 =	rddreg [dreg:$0x3];
	s7 =	smul.u32 $0x14000, s1  }
0x8: {  	s24 =	simm.s32 $0x2780;
	[smem:$0x7FF] =	sst s3;
	s8 =	smul.u32 $0x50000, s1  }
0x9: {  	s14 =	sadd.s32 $0x2A00, s5;
	s10 =	sshll.u32 s1, $0x1;
	s4 =	smul.u32 $0x140000, s6  }
0xa: {  	_ =	strace $0x8000004D;
	s31 =	ssub.s32 $0x2, s6;
	s10 =	sor.u32 s6, s10  }
0xb: {  	s9 =	sshrl.u32 s31, $0x1;
	s8 =	sshrl.u32 s8, $0x2;
	s13 =	smul.u32 $0x500, s10  }
0xc: {  	s7 =	sadd.s32 s7, s4;
	s4 =	sadd.s32 $0xCA00, s5;
	s9 =	ssub.s32 s31, s9  }
0xd: {  	s7 =	sshrl.u32 s7, $0x3;
	s12 =	sadd.s32 s14, s13;
	s16 =	sadd.s32 $0x280, s13  }
0xe: {  	s13 =	sadd.s32 s15, s13;
	s7 =	sadd.s32 s7, s5;
	s5 =	sadd.s32 s8, s2  }
0xf: {  	s14 =	sadd.s32 s14, s16;
	s15 =	sadd.s32 s15, s16;
	s16 =	simm.s32 $0x2800  }
0x10: {  	s6 =	sadd.s32 $0x34A00, s7;
	s7 =	smax.u32 s9, $0x1;
	s8 =	sadd.s32 $0x4000, s5  }
0x11: {  	v0 =	vimm.f32 $0.0e+00;
	s9 =	sadd.s32 $0x8000, s5;
	s10 =	sadd.s32 $0xC000, s5;
	s11 =	sadd.s32 $0x10000, s5  }
.LBB2_1:
0x12: {  	s25 =	simm.s32 $0x0;
	s26 =	simm.s32 $0x200  }
.LBB2_2:
0x13: {  	p0 =	sne.s32 s26, $0xFE00;
	[tilespmem:s25+$0x2870] =	vst v0  }
0x14: {  	[tilespmem:s25+$0x2800] =	vst v0  }
0x15: {  	[tilespmem:s25+$0x2810] =	vst v0  }
.Ltmp0:
0x16: {  	[tilespmem:s25+$0x2820] =	vst v0;
	(pc) =	sbr.rel @p0 .LBB2_2-.Ltmp0, $4  }
0x17: {  	[tilespmem:s25+$0x2830] =	vst v0  }
0x18: {  	[tilespmem:s25+$0x2840] =	vst v0  }
0x19: {  	[tilespmem:s25+$0x2850] =	vst v0  }
0x1a: {  	[tilespmem:s25+$0x2860] =	vst v0;
	s25 =	sshra.s32 s26, $0x2;
	s26 =	sadd.s32 $0x200, s26  }
0x1b: {  	[tilespmem:s25+$0x2870] =	vst v0  }
0x1c: {  	[tilespmem:s25+$0x2800] =	vst v0  }
0x1d: {  	[tilespmem:s25+$0x2810] =	vst v0  }
0x1e: {  	[tilespmem:s25+$0x2820] =	vst v0  }
0x1f: {  	[tilespmem:s25+$0x2830] =	vst v0  }
0x20: {  	[tilespmem:s25+$0x2840] =	vst v0  }
0x21: {  	[tilespmem:s25+$0x2850] =	vst v0  }
0x22: {  	[tilespmem:s25+$0x2860] =	vst v0  }
0x23: {  	[spmem:s5] =	stream.linear.scatter [tilespmem:s16], [sflag:$0x1], $0x4000, $0x38;
	[tilespmem:$0x1E800] =	vst v63  }
0x24: {  	_ = 	snop  }
0x25: {  	[spmem:s8] =	stream.linear.scatter [tilespmem:s16], [sflag:$0x1], $0x4000, $0x38;
	[tilespmem:$0x1E800] =	vst v63  }
0x26: {  	_ = 	snop  }
0x27: {  	[spmem:s9] =	stream.linear.scatter [tilespmem:s16], [sflag:$0x1], $0x4000, $0x38;
	[tilespmem:$0x1E800] =	vst v63  }
0x28: {  	_ = 	snop  }
0x29: {  	[spmem:s10] =	stream.linear.scatter [tilespmem:s16], [sflag:$0x1], $0x4000, $0x38;
	[tilespmem:$0x1E800] =	vst v63  }
0x2a: {  	_ = 	snop  }
0x2b: {  	[spmem:s11] =	stream.linear.scatter [tilespmem:s16], [sflag:$0x1], $0x4000, $0x38;
	[tilespmem:$0x1E800] =	vst v63  }
0x2c: {  	_ =	swait.ge [sflag:s17], $0x4000  }
0x2d: {  	[sflag:s17] =	ssyncset.done $0x0  }
0x2e: {  	[sflag:s17] =	ssyncadd.s32 $0xFFFFC000  }
0x2f: {  	_ =	swait.ge [sflag:s17], $0x4000  }
0x30: {  	[sflag:s17] =	ssyncset.done $0x0  }
0x31: {  	[sflag:s17] =	ssyncadd.s32 $0xFFFFC000  }
0x32: {  	_ =	swait.ge [sflag:s17], $0x4000  }
0x33: {  	[sflag:s17] =	ssyncset.done $0x0  }
0x34: {  	[sflag:s17] =	ssyncadd.s32 $0xFFFFC000  }
0x35: {  	_ =	swait.ge [sflag:s17], $0x4000  }
0x36: {  	[sflag:s17] =	ssyncset.done $0x0  }
0x37: {  	[sflag:s17] =	ssyncadd.s32 $0xFFFFC000  }
0x38: {  	_ =	swait.ge [sflag:s17], $0x4000  }
0x39: {  	[sflag:s17] =	ssyncset.done $0x0  }
0x3a: {  	[sflag:s17] =	ssyncadd.s32 $0xFFFFC000  }
0x3b: {  	s28 =	simm.s32 $0x0;
	[bflag:$0x0] =	sbarrier.arrive $0xFFFF  }
0x3c: {  	[tilespmem:s28], [sflag:$0x3] =	stream.linear.gather [hbm4b:s12+s28], $0x1400, $0x38;
	[tilespmem:$0x1E800] =	vst v63  }
0x3d: {  	_ =	swait.ge [sflag:s18], $0x1400  }
0x3e: {  	[sflag:s18] =	ssyncset.done $0x0  }
0x3f: {  	[sflag:s18] =	ssyncadd.s32 $0xFFFFEC00  }
0x40: {  	[tilespmem:s19], [sflag:$0x3] =	stream.linear.gather [hbm4b:s13+s28], $0x1400, $0x38;
	[tilespmem:$0x1E800] =	vst v63  }
0x41: {  	_ =	swait.ge [sflag:s18], $0x1400  }
0x42: {  	[sflag:s18] =	ssyncset.done $0x0  }
0x43: {  	[sflag:s18] =	ssyncadd.s32 $0xFFFFEC00  }
0x44: {  	[tilespmem:s16], [sflag:$0x1] =	stream.indirect.gather [hbm4b:s4+s20], $0x80, s19, s20, $0xb8;
	[tilespmem:$0x1E800] =	vst v63  }
0x45: {  	_ = 	snop  }
0x46: {  	[tilespmem:s21], [sflag:$0x2] =	stream.indirect.gather [hbm4b:s4+s20], $0x80, s28, s20, $0xb8;
	[tilespmem:$0x1E800] =	vst v63  }
0x47: {  	_ =	swait.ge [sflag:s17], $0x4000  }
0x48: {  	[sflag:s17] =	ssyncset.done $0x0  }
0x49: {  	s29 =	simm.s32 $0x0;
	[sflag:s17] =	ssyncadd.s32 $0xFFFFC000  }
0x4a: {  	[spmem:s2] =	stream.indirect.scatter.add.f32 [tilespmem:s16], [sflag:$0x3], $0x80, s29, s20, $0xb8;
	[tilespmem:$0x1E800] =	vst v63  }
0x4b: {  	_ =	swait.ge [sflag:s18], $0x4000  }
0x4c: {  	[sflag:s18] =	ssyncset.done $0x0  }
0x4d: {  	s30 =	simm.s32 $0x1480;
	[sflag:s18] =	ssyncadd.s32 $0xFFFFC000  }
0x4e: {  	[tilespmem:s16], [sflag:$0x1] =	stream.indirect.gather [hbm4b:s4+s20], $0x80, s30, s20, $0xb8;
	[tilespmem:$0x1E800] =	vst v63  }
0x4f: {  	_ =	swait.ge [sflag:s22], $0x4000  }
0x50: {  	[sflag:s22] =	ssyncset.done $0x0  }
0x51: {  	s31 =	simm.s32 $0x1400;
	[sflag:s22] =	ssyncadd.s32 $0xFFFFC000  }
0x52: {  	[spmem:s2] =	stream.indirect.scatter.add.f32 [tilespmem:s21], [sflag:$0x3], $0x80, s31, s20, $0xb8;
	[tilespmem:$0x1E800] =	vst v63  }
0x53: {  	_ =	swait.ge [sflag:s18], $0x4000  }
0x54: {  	[sflag:s18] =	ssyncset.done $0x0  }
0x55: {  	s25 =	simm.s32 $0x200;
	s26 =	simm.s32 $0x80;
	[sflag:s18] =	ssyncadd.s32 $0xFFFFC000  }
.LBB2_4:
0x56: {  	[tilespmem:s21], [sflag:$0x2] =	stream.indirect.gather [hbm4b:s4+s20], $0x80, s26, s20, $0xb8;
	[tilespmem:$0x1E800] =	vst v63  }
0x57: {  	s26 =	smov.u32 s25  }
0x58: {  	p0 =	sne.s32 s25, $0x4C00;
	s25 =	sadd.s32 $0x200, s25;
	_ =	swait.ge [sflag:s17], $0x4000  }
0x59: {  	[sflag:s17] =	ssyncset.done $0x0  }
0x5a: {  	s26 =	sshra.s32 s26, $0x2;
	[sflag:s17] =	ssyncadd.s32 $0xFFFFC000  }
0x5b: {  	[spmem:s2] =	stream.indirect.scatter.add.f32 [tilespmem:s16], [sflag:$0x3], $0x80, s26, s20, $0xb8;
	[tilespmem:$0x1E800] =	vst v63  }
0x5c: {  	_ =	swait.ge [sflag:s18], $0x4000  }
0x5d: {  	[sflag:s18] =	ssyncset.done $0x0  }
0x5e: {  	s28 =	sadd.s32 $0x1480, s26;
	[sflag:s18] =	ssyncadd.s32 $0xFFFFC000  }
0x5f: {  	[tilespmem:s16], [sflag:$0x1] =	stream.indirect.gather [hbm4b:s4+s20], $0x80, s28, s20, $0xb8;
	[tilespmem:$0x1E800] =	vst v63  }
0x60: {  	_ =	swait.ge [sflag:s22], $0x4000  }
0x61: {  	[sflag:s22] =	ssyncset.done $0x0  }
.Ltmp1:
0x62: {  	s28 =	sadd.s32 $0x1400, s26;
	[sflag:s22] =	ssyncadd.s32 $0xFFFFC000;
	(pc) =	sbr.rel @p0 .LBB2_4-.Ltmp1, $4  }
0x63: {  	[spmem:s2] =	stream.indirect.scatter.add.f32 [tilespmem:s21], [sflag:$0x3], $0x80, s28, s20, $0xb8;
	[tilespmem:$0x1E800] =	vst v63  }
0x64: {  	_ =	swait.ge [sflag:s18], $0x4000  }
0x65: {  	[sflag:s18] =	ssyncset.done $0x0  }
0x66: {  	s26 =	sadd.s32 $0x80, s26;
	[sflag:s18] =	ssyncadd.s32 $0xFFFFC000  }
0x67: {  	[tilespmem:s21], [sflag:$0x2] =	stream.indirect.gather [hbm4b:s4+s20], $0x80, s26, s20, $0xb8;
	[tilespmem:$0x1E800] =	vst v63  }
0x68: {  	_ =	swait.ge [sflag:s17], $0x4000  }
0x69: {  	[sflag:s17] =	ssyncset.done $0x0  }
0x6a: {  	[sflag:s17] =	ssyncadd.s32 $0xFFFFC000  }
0x6b: {  	[spmem:s2] =	stream.indirect.scatter.add.f32 [tilespmem:s16], [sflag:$0x3], $0x80, s23, s20, $0xb8;
	[tilespmem:$0x1E800] =	vst v63  }
0x6c: {  	_ =	swait.ge [sflag:s18], $0x4000  }
0x6d: {  	[sflag:s18] =	ssyncset.done $0x0  }
0x6e: {  	[sflag:s18] =	ssyncadd.s32 $0xFFFFC000  }
0x6f: {  	_ =	swait.ge [sflag:s22], $0x4000  }
0x70: {  	[sflag:s22] =	ssyncset.done $0x0  }
0x71: {  	[sflag:s22] =	ssyncadd.s32 $0xFFFFC000  }
0x72: {  	[spmem:s2] =	stream.indirect.scatter.add.f32 [tilespmem:s21], [sflag:$0x3], $0x80, s24, s20, $0xb8;
	[tilespmem:$0x1E800] =	vst v63  }
0x73: {  	_ =	swait.ge [sflag:s18], $0x4000  }
0x74: {  	[sflag:s18] =	ssyncset.done $0x0  }
0x75: {  	s25 =	simm.s32 $0x0;
	[sflag:s18] =	ssyncadd.s32 $0xFFFFC000  }
0x76: {  	[tilespmem:s25], [sflag:$0x3] =	stream.linear.gather [hbm4b:s14+s25], $0x1400, $0x38;
	[tilespmem:$0x1E800] =	vst v63  }
0x77: {  	_ =	swait.ge [sflag:s18], $0x1400  }
0x78: {  	[sflag:s18] =	ssyncset.done $0x0  }
0x79: {  	[sflag:s18] =	ssyncadd.s32 $0xFFFFEC00  }
0x7a: {  	[tilespmem:s19], [sflag:$0x3] =	stream.linear.gather [hbm4b:s15+s25], $0x1400, $0x38;
	[tilespmem:$0x1E800] =	vst v63  }
0x7b: {  	_ =	swait.ge [sflag:s18], $0x1400  }
0x7c: {  	[sflag:s18] =	ssyncset.done $0x0  }
0x7d: {  	[sflag:s18] =	ssyncadd.s32 $0xFFFFEC00  }
0x7e: {  	[tilespmem:s16], [sflag:$0x1] =	stream.indirect.gather [hbm4b:s4+s20], $0x80, s19, s20, $0xb8;
	[tilespmem:$0x1E800] =	vst v63  }
0x7f: {  	_ = 	snop  }
0x80: {  	[tilespmem:s21], [sflag:$0x2] =	stream.indirect.gather [hbm4b:s4+s20], $0x80, s25, s20, $0xb8;
	[tilespmem:$0x1E800] =	vst v63  }
0x81: {  	_ =	swait.ge [sflag:s17], $0x4000  }
0x82: {  	[sflag:s17] =	ssyncset.done $0x0  }
0x83: {  	s29 =	simm.s32 $0x0;
	[sflag:s17] =	ssyncadd.s32 $0xFFFFC000  }
0x84: {  	[spmem:s2] =	stream.indirect.scatter.add.f32 [tilespmem:s16], [sflag:$0x3], $0x80, s29, s20, $0xb8;
	[tilespmem:$0x1E800] =	vst v63  }
0x85: {  	_ =	swait.ge [sflag:s18], $0x4000  }
0x86: {  	[sflag:s18] =	ssyncset.done $0x0  }
0x87: {  	s30 =	simm.s32 $0x1480;
	[sflag:s18] =	ssyncadd.s32 $0xFFFFC000  }
0x88: {  	[tilespmem:s16], [sflag:$0x1] =	stream.indirect.gather [hbm4b:s4+s20], $0x80, s30, s20, $0xb8;
	[tilespmem:$0x1E800] =	vst v63  }
0x89: {  	_ =	swait.ge [sflag:s22], $0x4000  }
0x8a: {  	[sflag:s22] =	ssyncset.done $0x0  }
0x8b: {  	s31 =	simm.s32 $0x1400;
	[sflag:s22] =	ssyncadd.s32 $0xFFFFC000  }
0x8c: {  	[spmem:s2] =	stream.indirect.scatter.add.f32 [tilespmem:s21], [sflag:$0x3], $0x80, s31, s20, $0xb8;
	[tilespmem:$0x1E800] =	vst v63  }
0x8d: {  	_ =	swait.ge [sflag:s18], $0x4000  }
0x8e: {  	[sflag:s18] =	ssyncset.done $0x0  }
0x8f: {  	s26 =	simm.s32 $0x80;
	s25 =	simm.s32 $0x200;
	[sflag:s18] =	ssyncadd.s32 $0xFFFFC000  }
.LBB2_6:
0x90: {  	[tilespmem:s21], [sflag:$0x2] =	stream.indirect.gather [hbm4b:s4+s20], $0x80, s26, s20, $0xb8;
	[tilespmem:$0x1E800] =	vst v63  }
0x91: {  	s26 =	smov.u32 s25  }
0x92: {  	p0 =	sne.s32 s25, $0x4C00;
	s25 =	sadd.s32 $0x200, s25;
	_ =	swait.ge [sflag:s17], $0x4000  }
0x93: {  	[sflag:s17] =	ssyncset.done $0x0  }
0x94: {  	s26 =	sshra.s32 s26, $0x2;
	[sflag:s17] =	ssyncadd.s32 $0xFFFFC000  }
0x95: {  	[spmem:s2] =	stream.indirect.scatter.add.f32 [tilespmem:s16], [sflag:$0x3], $0x80, s26, s20, $0xb8;
	[tilespmem:$0x1E800] =	vst v63  }
0x96: {  	_ =	swait.ge [sflag:s18], $0x4000  }
0x97: {  	[sflag:s18] =	ssyncset.done $0x0  }
0x98: {  	s28 =	sadd.s32 $0x1480, s26;
	[sflag:s18] =	ssyncadd.s32 $0xFFFFC000  }
0x99: {  	[tilespmem:s16], [sflag:$0x1] =	stream.indirect.gather [hbm4b:s4+s20], $0x80, s28, s20, $0xb8;
	[tilespmem:$0x1E800] =	vst v63  }
0x9a: {  	_ =	swait.ge [sflag:s22], $0x4000  }
0x9b: {  	[sflag:s22] =	ssyncset.done $0x0  }
.Ltmp2:
0x9c: {  	s28 =	sadd.s32 $0x1400, s26;
	[sflag:s22] =	ssyncadd.s32 $0xFFFFC000;
	(pc) =	sbr.rel @p0 .LBB2_6-.Ltmp2, $4  }
0x9d: {  	[spmem:s2] =	stream.indirect.scatter.add.f32 [tilespmem:s21], [sflag:$0x3], $0x80, s28, s20, $0xb8;
	[tilespmem:$0x1E800] =	vst v63  }
0x9e: {  	_ =	swait.ge [sflag:s18], $0x4000  }
0x9f: {  	[sflag:s18] =	ssyncset.done $0x0  }
0xa0: {  	s26 =	sadd.s32 $0x80, s26;
	[sflag:s18] =	ssyncadd.s32 $0xFFFFC000  }
0xa1: {  	[tilespmem:s21], [sflag:$0x2] =	stream.indirect.gather [hbm4b:s4+s20], $0x80, s26, s20, $0xb8;
	[tilespmem:$0x1E800] =	vst v63  }
0xa2: {  	_ =	swait.ge [sflag:s17], $0x4000  }
0xa3: {  	[sflag:s17] =	ssyncset.done $0x0  }
0xa4: {  	[sflag:s17] =	ssyncadd.s32 $0xFFFFC000  }
0xa5: {  	[spmem:s2] =	stream.indirect.scatter.add.f32 [tilespmem:s16], [sflag:$0x3], $0x80, s23, s20, $0xb8;
	[tilespmem:$0x1E800] =	vst v63  }
0xa6: {  	_ =	swait.ge [sflag:s18], $0x4000  }
0xa7: {  	[sflag:s18] =	ssyncset.done $0x0  }
0xa8: {  	[sflag:s18] =	ssyncadd.s32 $0xFFFFC000  }
0xa9: {  	_ =	swait.ge [sflag:s22], $0x4000  }
0xaa: {  	[sflag:s22] =	ssyncset.done $0x0  }
0xab: {  	[sflag:s22] =	ssyncadd.s32 $0xFFFFC000  }
0xac: {  	[spmem:s2] =	stream.indirect.scatter.add.f32 [tilespmem:s21], [sflag:$0x3], $0x80, s24, s20, $0xb8;
	[tilespmem:$0x1E800] =	vst v63  }
0xad: {  	_ =	swait.ge [sflag:s18], $0x4000  }
0xae: {  	s25 =	sshll.u32 s1, $0x6;
	s3 =	sadd.s32 $0x1, s3;
	[sflag:s18] =	ssyncset.done $0x0  }
0xaf: {  	s31 =	sshrl.u32 s5, $0x3;
	p0 =	sne.s32 s3, s7;
	[sflag:s18] =	ssyncadd.s32 $0xFFFFC000  }
.Ltmp3:
0xb0: {  	s25 =	sor.u32 $0x1C03, s25;
	[bflag:$0x0] =	sbarrier.arrive $0xFFFF;
	(pc) =	sbr.rel @p0 .LBB2_1-.Ltmp3, $4  }
0xb1: {  	[hbm:s6], [sflag:s25] =	dma.local [spmem:s31], $0x2800  }
0xb2: {  	_ =	swait.ge [sflag:s18], $0x2800  }
0xb3: {  	[sflag:s18] =	ssyncset.done $0x0  }
0xb4: {  	[sflag:s18] =	ssyncadd.s32 $0xFFFFD800  }
0xb5: {  	_ =	sfence.sel $0x180000  }
0xb6: {  	[bflag:$0x0] =	sbarrier.arrive $0xFFFF  }
0xb7: {  	p0 =	sne.s32 s1, $0x0;
	_ =	strace $0x9000004D  }
0xb8: {  	s0 =	sadd.s32 @!p0 $0x100000, s0;
	[bflag:$0x2] =	sbarrier.arrive $0xFFFF  }
0xb9: {  	[sflag:s0] =	ssyncadd.tile.s32 @!p0 $0x1;
	_ =	shalt  }
.Lfunc_end2:
_tile_overlayer_lowered:
.L_overlay_start_2:
0xba: {  	(tag) =	ssettag $0x2  }
0xbb: {  	s0 =	rddreg [dreg:$0x0];
	s2 =	stileid.u32  }
0xbc: {  	s1 =	rddreg [dreg:$0x1];
	p0 =	sne.s32 s2, $0x0  }
0xbd: {  	s3 =	rddreg [dreg:$0x2];
	[bflag:$0x3] =	sbarrier.arrive $0xFFFF;
	s2 =	simm.s32 @!p0 $0x1C03  }
0xbe: {  	[timem:s3], [sflag:s2] =	dma.local @!p0 [hbm:s0], s1  }
0xbf: {  	s0 =	simm.s32 @!p0 $0x3  }
0xc0: {  	_ =	swait.ge @!p0 [sflag:s0], s1  }
0xc1: {  	s1 =	ssub.s32 @!p0 $0x0, s1;
	[sflag:s0] =	ssyncset.done @!p0 $0x0  }
0xc2: {  	[sflag:s0] =	ssyncadd.s32 @!p0 s1  }
0xc3: {  	[bflag:$0x3] =	sbarrier.arrive $0xFFFF  }
0xc4: {  	_ =	shalt  }

// kernel: kernel.8.cloned.1.call-start
scs
__scs_entry_jumppad:
0x0: {  	(pc) =	sbr.rel $0x88, $3  }
0x1: {  	(tag) =	ssettag $0x0;
	lr =	simm.s32 $0x1  }
0x2: {  	[smem:$0x3F97] =	sst lr;
	_ =	strace $0xD0000000  }
0x3: {  	_ = 	snop  }
0x4: {  	_ = 	snop  }
0x5: {  	_ = 	snop  }
0x6: {  	_ = 	snop  }
0x7: {  	_ = 	snop  }
__scs_overlays_trampoline_lowered:
0x8: {  	[smem:$0x3FA6] =	sst s0  }
0x9: {  	[smem:$0x3FA7] =	sst s1  }
0xa: {  	[smem:$0x3FA8] =	sst s2  }
0xb: {  	[smem:$0x3FA9] =	sst s3  }
0xc: {  	[smem:$0x3FAA] =	sst s4  }
0xd: {  	[smem:$0x3FAB] =	sst s5  }
0xe: {  	[smem:$0x3FAC] =	sst s6  }
0xf: {  	[smem:$0x3FAD] =	sst s7  }
0x10: {  	[smem:$0x3FAE] =	sst s8  }
0x11: {  	[smem:$0x3FAF] =	sst s9;
	s0 =	simm.s32 @!p0 $0x0  }
0x12: {  	s1 =	sld [smem:$0x3F95];
	s0 =	simm.s32 @p0 $0x1  }
0x13: {  	[smem:$0x3FB0] =	sst s0;
	s0 =	simm.s32 @!p1 $0x0  }
0x14: {  	s2 =	sld [smem:$0x3F94];
	s0 =	simm.s32 @p1 $0x1  }
0x15: {  	[smem:$0x3FB1] =	sst s0;
	s0 =	simm.s32 @!p2 $0x0  }
0x16: {  	s3 =	sld [smem:$0x3FDB];
	s0 =	simm.s32 @p2 $0x1  }
0x17: {  	s4 =	simm.s32 $0x1BF5;
	[smem:$0x3FB3] =	sst s0  }
0x18: {  	s0 =	sld [smem:$0x3F96];
	_ =	swait.ge [sflag:s4], $0x0  }
0x19: {  	s7 =	sld [smem:$0x3F97]  }
0x1a: {  	s8 =	sadd.s32 $0xFFFFE003, lr  }
0x1b: {  	s9 =	sadd.s32 $0xFFFFFEF7, lr;
	s5 =	simm.s32 $0xFFFFFFFF;
	p2 =	slt.u32 s8, $0xFFFFF086  }
0x1c: {  	p1 =	slt.u32 s9, $0xF7A;
	s5 =	simm.s32 @!p2 $0x0  }
0x1d: {  	s5 =	simm.s32 @p1 $0x1;
	p0 =	seq.s32 s7, s2  }
0x1e: {  	s7 =	smul.u32 @!p0 $0xF7A, s2;
	p2 =	seq.s32 @!p0 s5, $0x0  }
0x1f: {  	s9 =	smul.u32 $0xF7A, s1;
	s8 =	simm.s32 @!p0 $0x1BF5;
	p2 =	por !p2, p0  }
0x20: {  	[sflag:s8] =	ssyncset.s32 @!p0 $0xFFFFF086;
	s6 =	sadd.s32 @!p0 s3, s7;
	s7 =	simm.s32 @!p0 $0x108  }
0x21: {  	s3 =	sadd.s32 s3, s9;
	s6 =	sadd.s32 @!p0 $0x88, s6;
	s7 =	simm.s32 @p2 $0x1082  }
0x22: {  	[simem:s7], [sflag:s8] =	dma.local @!p0 [hbm:s6], $0xF7A  }
0x23: {  	s9 =	sor.u32 $0xD0000000, s2;
	s6 =	simm.s32 $0x108;
	_ =	swait.ge @!p0 [sflag:s8], $0x0  }
0x24: {  	s3 =	sadd.s32 $0x88, s3;
	s6 =	simm.s32 @!p1 $0x1082;
	[sflag:s4] =	ssyncset.s32 $0xFFFFF086  }
0x25: {  	[simem:s6], [sflag:s4] =	dma.local [hbm:s3], $0xF7A  }
0x26: {  	[smem:$0x3F97] =	sst s1;
	(tag) =	ssettag s2;
	_ =	strace s9  }
0x27: {  	s1 =	sld [smem:$0x3FA7]  }
0x28: {  	s2 =	sld [smem:$0x3FA8]  }
0x29: {  	s4 =	sld [smem:$0x3FAA]  }
0x2a: {  	p0 =	seq.s32 s5, $0x0;
	s5 =	sld [smem:$0x3FAB]  }
0x2b: {  	s6 =	sld [smem:$0x3FAC]  }
0x2c: {  	s7 =	sld [smem:$0x3FAD]  }
0x2d: {  	s3 =	simm.s32 $0x108;
	s8 =	sld [smem:$0x3FAE]  }
0x2e: {  	s3 =	simm.s32 @!p0 $0x1082;
	s9 =	sld [smem:$0x3FAF]  }
0x2f: {  	lr =	sadd.s32 s0, s3;
	s0 =	sld [smem:$0x3FA6]  }
0x30: {  	s3 =	sld [smem:$0x3FA9]  }
0x31: {  	[smem:$0x3FB2] =	sst s10  }
0x32: {  	s10 =	sld [smem:$0x3FB0];
	_ =	sdelay $0x3  }
0x33: {  	p0 =	seq.s32 s10, $0x1;
	s10 =	sld [smem:$0x3FB2];
	_ =	sdelay $0x3  }
0x34: {  	[smem:$0x3FB2] =	sst s10  }
0x35: {  	s10 =	sld [smem:$0x3FB1];
	_ =	sdelay $0x3  }
0x36: {  	p1 =	seq.s32 s10, $0x1;
	s10 =	sld [smem:$0x3FB2];
	_ =	sdelay $0x3  }
0x37: {  	[smem:$0x3FB2] =	sst s10  }
0x38: {  	s10 =	sld [smem:$0x3FB3]  }
0x39: {  	_ = 	snop;
	(pc) =	sbr.ind lr, $3  }
0x3a: {  	_ = 	snop  }
0x3b: {  	_ = 	snop  }
0x3c: {  	p2 =	seq.s32 s10, $0x1;
	s10 =	sld [smem:$0x3FB2]  }
0x3d: {  	_ =	shalt  }
0x3e: {  	_ =	shalt  }
0x3f: {  	_ =	shalt  }
0x40: {  	_ =	shalt  }
0x41: {  	_ =	shalt  }
0x42: {  	_ =	shalt  }
0x43: {  	_ =	shalt  }
0x44: {  	_ =	shalt  }
0x45: {  	_ =	shalt  }
0x46: {  	_ =	shalt  }
0x47: {  	_ =	shalt  }
0x48: {  	_ =	shalt  }
0x49: {  	_ =	shalt  }
0x4a: {  	_ =	shalt  }
0x4b: {  	_ =	shalt  }
0x4c: {  	_ =	shalt  }
0x4d: {  	_ =	shalt  }
0x4e: {  	_ =	shalt  }
0x4f: {  	_ =	shalt  }
0x50: {  	_ =	shalt  }
0x51: {  	_ =	shalt  }
0x52: {  	_ =	shalt  }
0x53: {  	_ =	shalt  }
0x54: {  	_ =	shalt  }
0x55: {  	_ =	shalt  }
0x56: {  	_ =	shalt  }
0x57: {  	_ =	shalt  }
0x58: {  	_ =	shalt  }
0x59: {  	_ =	shalt  }
0x5a: {  	_ =	shalt  }
0x5b: {  	_ =	shalt  }
0x5c: {  	_ =	shalt  }
0x5d: {  	_ =	shalt  }
0x5e: {  	_ =	shalt  }
0x5f: {  	_ =	shalt  }
0x60: {  	_ =	shalt  }
0x61: {  	_ =	shalt  }
0x62: {  	_ =	shalt  }
0x63: {  	_ =	shalt  }
0x64: {  	_ =	shalt  }
0x65: {  	_ =	shalt  }
0x66: {  	_ =	shalt  }
0x67: {  	_ =	shalt  }
0x68: {  	_ =	shalt  }
0x69: {  	_ =	shalt  }
0x6a: {  	_ =	shalt  }
0x6b: {  	_ =	shalt  }
0x6c: {  	_ =	shalt  }
0x6d: {  	_ =	shalt  }
0x6e: {  	_ =	shalt  }
0x6f: {  	_ =	shalt  }
0x70: {  	_ =	shalt  }
0x71: {  	_ =	shalt  }
0x72: {  	_ =	shalt  }
0x73: {  	_ =	shalt  }
0x74: {  	_ =	shalt  }
0x75: {  	_ =	shalt  }
0x76: {  	_ =	shalt  }
0x77: {  	_ =	shalt  }
0x78: {  	_ =	shalt  }
0x79: {  	_ =	shalt  }
0x7a: {  	_ =	shalt  }
0x7b: {  	_ =	shalt  }
0x7c: {  	_ =	shalt  }
0x7d: {  	_ =	shalt  }
0x7e: {  	_ =	shalt  }
0x7f: {  	_ =	shalt  }
0x80: {  	_ =	shalt  }
0x81: {  	_ =	shalt  }
0x82: {  	_ =	shalt  }
0x83: {  	_ =	shalt  }
0x84: {  	_ =	shalt  }
0x85: {  	_ =	shalt  }
0x86: {  	_ =	shalt  }
0x87: {  	_ =	shalt  }
.Lfunc_end0:
.L_simem_size_0:
called_computation_lowered:
.L_overlay_start_0:
0x88: {  	s2 =	sld [smem:$0x3FD9]  }
0x89: {  	s3 =	sld [smem:$0x3FFE];
	_ =	sdelay $0x1  }
0x8a: {  	s1 =	srdreg.scid  }
0x8b: {  	s0 =	sand.u32 $0x1, s1  }
0x8c: {  	s17 =	sshll.u32 s0, $0xA;
	s2 =	sadd.s32 s3, s2  }
0x8d: {  	s2 =	sadd.s32 s2, s17  }
0x8e: {  	[smem:$0x3FBE] =	sst s2  }
0x8f: {  	_ = 	snop  }
0x90: {  	s2 =	sld [smem:$0x3FD0];
	(tm) =	ssettm $0x1  }
0x91: {  	s18 =	sld [smem:$0x3FFB];
	_ =	sdelay $0x3  }
0x92: {  	_ =	strace s18  }
0x93: {  	s3 =	sld [smem:$0x3FFC];
	_ =	sdelay $0x3  }
0x94: {  	_ =	strace s3  }
0x95: {  	s3 =	sld [smem:$0x3FFD];
	_ =	sdelay $0x3  }
0x96: {  	_ =	strace s3  }
0x97: {  	_ =	strace $0x8FFFFFFF  }
0x98: {  	s19 =	sld [smem:$0x3FDB];
	_ =	sdelay $0x1  }
0x99: {  	s4 =	simm.s32 $_scs_section_size  }
0x9a: {  	s5 =	simm.s32 $_size__tile_overlayer_lowered;
	s6 =	simm.s32 $_tile_overlayer_lowered  }
0x9b: {  	s22 =	simm.s32 $0x1BFF;
	s21 =	sshll.u32 s6, $0x1;
	s3 =	sadd.s32 s4, s19  }
0x9c: {  	s7 =	simm.s32 $0x0;
	s20 =	sshll.u32 s5, $0x1;
	s5 =	sadd.s32 s21, s3  }
0x9d: {  	[timem:s7], [sflag:s22] =	dma.local [hbm:s5], s20  }
0x9e: {  	_ =	swait.ge [sflag:s22], s20  }
0x9f: {  	s4 =	ssub.s32 $0x0, s20;
	[sflag:s22] =	ssyncset.done $0x0  }
0xa0: {  	[sflag:s22] =	ssyncadd.s32 s4;
	_ =	sdelay $0x1  }
0xa1: {  	s23 =	simm.s32 $0x1B8B  }
0xa2: {  	_ =	swait.ge [sflag:s23], $0x1  }
0xa3: {  	[sflag:s23] =	ssyncset.done $0x0  }
0xa4: {  	s25 =	simm.s32 $0x1B8E;
	s24 =	sld [smem:$0x3FFE];
	[sflag:s23] =	ssyncadd.s32 $0xFFFFFFFF  }
0xa5: {  	s26 =	simm.s32 $execute0_lowered;
	[smem:$0x3FD2] =	sst s25  }
0xa6: {  	s5 =	sshll.u32 s26, $0x1;
	_ =	strace $0x80000046;
	[dreg:$0x1] =	wrdreg $0xFFFFFFFF  }
0xa7: {  	s28 =	simm.s32 $_size_execute0_lowered;
	s3 =	sadd.s32 s3, s5;
	[dreg:$0x0] =	wrdreg $0x0  }
0xa8: {  	s5 =	sshll.u32 s28, $0x1;
	[dreg:$0x2] =	wrdreg s3  }
0xa9: {  	[dreg:$0x3] =	wrdreg s5  }
0xaa: {  	[dreg:$0x4] =	wrdreg $0xC0  }
0xab: {  	_ =	task [dreg:s7], $0x5FFFF  }
0xac: {  	[dreg:$0x1] =	wrdreg $0xFFFFFFFF  }
0xad: {  	[dreg:$0x0] =	wrdreg $0x60  }
0xae: {  	[dreg:$0x2] =	wrdreg s24  }
0xaf: {  	[dreg:$0x3] =	wrdreg s2  }
0xb0: {  	[dreg:$0x4] =	wrdreg $0x53000  }
0xb1: {  	[dreg:$0x5] =	wrdreg $0x9  }
0xb2: {  	_ =	task.clear_ibuf [dreg:s7], $0x6FFFF;
	_ =	strace $0x90000046  }
0xb3: {  	s29 =	simm.s32 $0x9;
	_ =	strace $0x80000048  }
0xb4: {  	_ =	swait.ge [sflag:s29], $0x1  }
0xb5: {  	[sflag:s29] =	ssyncadd.s32 $0xFFFFFFFF  }
0xb6: {  	_ =	strace $0x90000048  }
0xb7: {  	_ =	sfence  }
0xb8: {  	s30 =	sld [smem:$0x0];
	_ =	sdelay $0x2  }
0xb9: {  	s31 =	sshll.u32 s1, $0xD;
	s1 =	sshrl.u32 s1, $0x2  }
0xba: {  	s3 =	sand.u32 $0x4000, s31;
	s1 =	sadd.s32 s1, s30  }
0xbb: {  	s0 =	sor.u32 s3, s0;
	s1 =	sshll.u32 s1, $0x11  }
0xbc: {  	s0 =	sor.u32 s1, s0  }
0xbd: {  	s0 =	sadd.s32 $0x8F2B, s0  }
0xbe: {  	[sflag:s0] =	ssyncadd.remote.s32 $0x1  }
0xbf: {  	_ =	sfence.sel $0xFFFF  }
0xc0: {  	[dreg:$0x0] =	wrdreg $0xFFFFFFFF;
	(pc) =	sbr.abs _section_cstart, $3  }
0xc1: {  	[dreg:$0x1] =	wrdreg $0xFFFFFFFF  }
0xc2: {  	_ =	task.clear_ibuf [dreg:s7], $0x2FFFF;
	_ =	strace $0x9FFFFFFF  }
0xc3: {  	(tm) =	ssettm $0x7FFFFFFF  }
tec
execute0_lowered:
.L_overlay_start_1:
0x0: {  	(tag) =	ssettag $0x1  }
0x1: {  	s4 =	rddreg [dreg:$0x0];
	s1 =	srdreg.scid  }
0x2: {  	s0 =	stileid.u32;
	s6 =	rddreg [dreg:$0x1]  }
0x3: {  	s2 =	rddreg [dreg:$0x2];
	s3 =	simm.s32 $0x0;
	s12 =	simm.s32 $0x80  }
0x4: {  	s13 =	simm.s32 $0x5000;
	s16 =	simm.s32 $0x20;
	s17 =	simm.s32 $0x10  }
0x5: {  	s18 =	simm.s32 $0x0;
	s5 =	sand.u32 $0x1, s1;
	s1 =	rddreg [dreg:$0x3]  }
0x6: {  	s30 =	sshll.u32 s0, $0x1;
	[smem:$0x7FF] =	sst s3;
	s8 =	smul.u32 $0x500, s0  }
0x7: {  	s10 =	smul.u32 $0xA00, s0;
	s14 =	sshll.u32 s0, $0x6;
	s7 =	sor.u32 s5, s30  }
0x8: {  	_ =	strace $0x80000047;
	s9 =	sshll.u32 s5, $0x7;
	s5 =	ssub.s32 $0x2, s5  }
0x9: {  	s14 =	sor.u32 $0x1C01, s14;
	s7 =	smul.u32 $0x500, s7;
	s8 =	sor.u32 s9, s8  }
0xa: {  	s31 =	sshrl.u32 s5, $0x1;
	s10 =	sshrl.u32 s10, $0x2;
	s8 =	sshrl.u32 s8, $0x3  }
0xb: {  	s9 =	ssub.s32 s5, s31;
	s11 =	sadd.s32 s7, s4;
	s8 =	sadd.s32 s8, s4  }
0xc: {  	s4 =	sadd.s32 s10, s2;
	s6 =	sadd.s32 s6, s7;
	s10 =	simm.s32 $0x1  }
0xd: {  	s5 =	sadd.s32 $0x2A00, s11;
	s7 =	sadd.s32 $0xCA00, s8;
	s8 =	smax.u32 s9, $0x1  }
0xe: {  	v0 =	vimm.f32 $0.0e+00;
	v1 =	vimm.f32 $1.000000000e+00;
	s9 =	simm.s32 $0x5080;
	s11 =	simm.s32 $0x2800;
	s15 =	sshrl.u32 s4, $0x3  }
.LBB2_1:
0xf: {  	[tilespmem:$0x5080] =	vst v0  }
0x10: {  	[tilespmem:$0x5090] =	vst v0  }
0x11: {  	[tilespmem:$0x50A0] =	vst v0  }
0x12: {  	[tilespmem:$0x50B0] =	vst v0  }
0x13: {  	[tilespmem:$0x50C0] =	vst v0  }
0x14: {  	[tilespmem:$0x50D0] =	vst v0  }
0x15: {  	[tilespmem:$0x50E0] =	vst v0  }
0x16: {  	[tilespmem:$0x50F0] =	vst v0  }
0x17: {  	[tilespmem:$0x5100] =	vst v0  }
0x18: {  	[tilespmem:$0x5110] =	vst v0  }
0x19: {  	[tilespmem:$0x5120] =	vst v0  }
0x1a: {  	[tilespmem:$0x5130] =	vst v0  }
0x1b: {  	[tilespmem:$0x5140] =	vst v0  }
0x1c: {  	[tilespmem:$0x5150] =	vst v0  }
0x1d: {  	[tilespmem:$0x5160] =	vst v0  }
0x1e: {  	[tilespmem:$0x5170] =	vst v0  }
0x1f: {  	[tilespmem:$0x5180] =	vst v0  }
0x20: {  	[tilespmem:$0x5190] =	vst v0  }
0x21: {  	[tilespmem:$0x51A0] =	vst v0  }
0x22: {  	[tilespmem:$0x51B0] =	vst v0  }
0x23: {  	[tilespmem:$0x51C0] =	vst v0  }
0x24: {  	[tilespmem:$0x51D0] =	vst v0  }
0x25: {  	[tilespmem:$0x51E0] =	vst v0  }
0x26: {  	[tilespmem:$0x51F0] =	vst v0  }
0x27: {  	[tilespmem:$0x5200] =	vst v0  }
0x28: {  	[tilespmem:$0x5210] =	vst v0  }
0x29: {  	[tilespmem:$0x5220] =	vst v0  }
0x2a: {  	[tilespmem:$0x5230] =	vst v0  }
0x2b: {  	[tilespmem:$0x5240] =	vst v0  }
0x2c: {  	[tilespmem:$0x5250] =	vst v0  }
0x2d: {  	[tilespmem:$0x5260] =	vst v0  }
0x2e: {  	[tilespmem:$0x5270] =	vst v0  }
0x2f: {  	[tilespmem:$0x5280] =	vst v0  }
0x30: {  	[tilespmem:$0x5290] =	vst v0  }
0x31: {  	[tilespmem:$0x52A0] =	vst v0  }
0x32: {  	[tilespmem:$0x52B0] =	vst v0  }
0x33: {  	[tilespmem:$0x52C0] =	vst v0  }
0x34: {  	[tilespmem:$0x52D0] =	vst v0  }
0x35: {  	[tilespmem:$0x52E0] =	vst v0  }
0x36: {  	[tilespmem:$0x52F0] =	vst v0  }
0x37: {  	[tilespmem:$0x5000] =	vst v1  }
0x38: {  	[tilespmem:$0x5010] =	vst v1  }
0x39: {  	[tilespmem:$0x5020] =	vst v1  }
0x3a: {  	[tilespmem:$0x5030] =	vst v1  }
0x3b: {  	[tilespmem:$0x5040] =	vst v1  }
0x3c: {  	[tilespmem:$0x5050] =	vst v1  }
0x3d: {  	[tilespmem:$0x5060] =	vst v1  }
0x3e: {  	[tilespmem:$0x5070] =	vst v1  }
0x3f: {  	[spmem:s4] =	stream.linear.scatter [tilespmem:s9], [sflag:$0x1], $0x280, $0x38;
	[tilespmem:$0x5580] =	vst v63  }
0x40: {  	_ =	swait.ge [sflag:s10], $0x280  }
0x41: {  	[sflag:s10] =	ssyncset.done $0x0  }
0x42: {  	[sflag:s10] =	ssyncadd.s32 $0xFFFFFD80  }
0x43: {  	[bflag:$0x0] =	sbarrier.arrive $0xFFFF  }
0x44: {  	[tilespmem:s3], [sflag:$0x1] =	stream.linear.gather [hbm4b:s5+s3], $0x2800, $0x38;
	[tilespmem:$0x5580] =	vst v63  }
0x45: {  	_ =	swait.ge [sflag:s10], $0x2800  }
0x46: {  	[sflag:s10] =	ssyncset.done $0x0  }
0x47: {  	[sflag:s10] =	ssyncadd.s32 $0xFFFFD800  }
0x48: {  	[tilespmem:s11], [sflag:$0x1] =	stream.linear.gather [hbm4b:s6+s3], $0x2800, $0x38;
	[tilespmem:$0x5580] =	vst v63  }
0x49: {  	_ =	swait.ge [sflag:s10], $0x2800  }
0x4a: {  	[sflag:s10] =	ssyncset.done $0x0  }
0x4b: {  	s19 =	simm.s32 $0x0;
	[sflag:s10] =	ssyncadd.s32 $0xFFFFD800  }
0x4c: {  	[spmem:s2] =	stream.indirect.scatter.add.f32 [tilespmem:s13], [sflag:$0x1], $0x1, s19, s12, $0xb8;
	[tilespmem:$0x5580] =	vst v63  }
0x4d: {  	_ =	swait.ge [sflag:s10], $0x80  }
0x4e: {  	[sflag:s10] =	ssyncset.done $0x0  }
0x4f: {  	s31 =	simm.s32 $0x2800;
	[sflag:s10] =	ssyncadd.s32 $0xFFFFFF80  }
0x50: {  	[spmem:s2] =	stream.indirect.scatter.add.f32 [tilespmem:s13], [sflag:$0x1], $0x1, s31, s12, $0xb8;
	[tilespmem:$0x5580] =	vst v63  }
0x51: {  	_ =	swait.ge [sflag:s10], $0x80  }
0x52: {  	s20 =	simm.s32 $0x400;
	s19 =	simm.s32 $0x200;
	[sflag:s10] =	ssyncset.done $0x0  }
.LBB2_2:
0x53: {  	s21 =	sshra.s32 s19, $0x2  }
0x54: {  	[sflag:s10] =	ssyncadd.s32 $0xFFFFFF80;
	s19 =	smov.u32 s20;
	s22 =	sadd.s32 $0x200, s20  }
0x55: {  	[spmem:s2] =	stream.indirect.scatter.add.f32 [tilespmem:s13], [sflag:$0x1], $0x1, s21, s12, $0xb8;
	[tilespmem:$0x5580] =	vst v63  }
0x56: {  	p0 =	sne.s32 s20, $0x9E00;
	_ =	swait.ge [sflag:s10], $0x80  }
.Ltmp0:
0x57: {  	[sflag:s10] =	ssyncset.done $0x0;
	(pc) =	sbr.rel @p0 .LBB2_2-.Ltmp0, $4  }
0x58: {  	s20 =	sadd.s32 $0x2800, s21;
	[sflag:s10] =	ssyncadd.s32 $0xFFFFFF80  }
0x59: {  	[spmem:s2] =	stream.indirect.scatter.add.f32 [tilespmem:s13], [sflag:$0x1], $0x1, s20, s12, $0xb8;
	[tilespmem:$0x5580] =	vst v63  }
0x5a: {  	_ =	swait.ge [sflag:s10], $0x80  }
0x5b: {  	s20 =	smov.u32 s22;
	[sflag:s10] =	ssyncset.done $0x0  }
0x5c: {  	s19 =	sshra.s32 s19, $0x2;
	[sflag:s10] =	ssyncadd.s32 $0xFFFFFF80  }
0x5d: {  	[spmem:s2] =	stream.indirect.scatter.add.f32 [tilespmem:s13], [sflag:$0x1], $0x1, s19, s12, $0xb8;
	[tilespmem:$0x5580] =	vst v63  }
0x5e: {  	_ =	swait.ge [sflag:s10], $0x80  }
0x5f: {  	[sflag:s10] =	ssyncset.done $0x0  }
0x60: {  	s19 =	sadd.s32 $0x2800, s19;
	[sflag:s10] =	ssyncadd.s32 $0xFFFFFF80  }
0x61: {  	[spmem:s2] =	stream.indirect.scatter.add.f32 [tilespmem:s13], [sflag:$0x1], $0x1, s19, s12, $0xb8;
	[tilespmem:$0x5580] =	vst v63  }
0x62: {  	_ =	swait.ge [sflag:s10], $0x80  }
0x63: {  	s18 =	sadd.s32 $0x1, s18;
	[sflag:s10] =	ssyncset.done $0x0  }
0x64: {  	p0 =	sne.s32 s18, s8;
	[sflag:s10] =	ssyncadd.s32 $0xFFFFFF80  }
.Ltmp1:
0x65: {  	[bflag:$0x0] =	sbarrier.arrive $0xFFFF;
	(pc) =	sbr.rel @p0 .LBB2_1-.Ltmp1, $4  }
0x66: {  	[hbm:s7@s16], [sflag:s14] =	dma.strided [spmem:s15@s17], $0x50, s10, $0x10   }
0x67: {  	_ =	swait.ge [sflag:s10], $0x50  }
0x68: {  	[sflag:s10] =	ssyncset.done $0x0  }
0x69: {  	[sflag:s10] =	ssyncadd.s32 $0xFFFFFFB0  }
0x6a: {  	_ =	sfence.sel $0x180000  }
0x6b: {  	[bflag:$0x0] =	sbarrier.arrive $0xFFFF  }
0x6c: {  	p0 =	sne.s32 s0, $0x0;
	_ =	strace $0x90000047  }
0x6d: {  	s0 =	sadd.s32 @!p0 $0x100000, s1;
	[bflag:$0x2] =	sbarrier.arrive $0xFFFF  }
0x6e: {  	[sflag:s0] =	ssyncadd.tile.s32 @!p0 $0x1;
	_ =	shalt  }
.Lfunc_end2:
_tile_overlayer_lowered:
.L_overlay_start_2:
0x6f: {  	(tag) =	ssettag $0x2  }
0x70: {  	s0 =	rddreg [dreg:$0x0];
	s2 =	stileid.u32  }
0x71: {  	s1 =	rddreg [dreg:$0x1];
	p0 =	sne.s32 s2, $0x0  }
0x72: {  	s3 =	rddreg [dreg:$0x2];
	[bflag:$0x3] =	sbarrier.arrive $0xFFFF;
	s2 =	simm.s32 @!p0 $0x1C01  }
0x73: {  	[timem:s3], [sflag:s2] =	dma.local @!p0 [hbm:s0], s1  }
0x74: {  	s0 =	simm.s32 @!p0 $0x1  }
0x75: {  	_ =	swait.ge @!p0 [sflag:s0], s1  }
0x76: {  	s1 =	ssub.s32 @!p0 $0x0, s1;
	[sflag:s0] =	ssyncset.done @!p0 $0x0  }
0x77: {  	[sflag:s0] =	ssyncadd.s32 @!p0 s1  }
0x78: {  	[bflag:$0x3] =	sbarrier.arrive $0xFFFF  }
0x79: {  	_ =	shalt  }

</sc_bundles>
